<compile_context>
chip_gen: v7x
topology: tpu7x:2x2x1
jax: 0.10.2.dev20260603
libtpu: 0.0.44.dev20260713+nightly
codegen_flags: <defaults>
</compile_context>

<pallas_src>
import functools

import jax
import jax.numpy as jnp
from jax import lax
from jax.experimental import pallas as pl
from jax.experimental.pallas import tpu as pltpu
from jax.experimental.pallas import tpu_sc as plsc

_V = 1000000
_D = 64
_SEQ = 200
_B = 4096
_NCLS = 10
_NP = 16
_NC = 2
_NS = 16
_NW = _NC * _NS
_BPW = _B // _NW
_LANES = 16
_NSLOT = 4

_CBLK = 32768
_PBLK = _CBLK // 8
_PSH = _PBLK.bit_length() - 1
_NBLK = (_V + _CBLK - 1) // _CBLK
_DECL = _NBLK * _CBLK

_mesh = plsc.VectorSubcoreMesh(core_axis_name="c", subcore_axis_name="s")


def _tc_proj(w_ref, t_ref, o_ref):
    p = jax.lax.dot_general(
        w_ref[...],
        t_ref[...],
        (((1,), (0,)), ((), ())),
        preferred_element_type=jnp.float32,
    )
    p8 = jnp.concatenate(
        [p[:, j * _PBLK : (j + 1) * _PBLK] for j in range(8)], axis=0
    )
    o_ref[...] = p8.T


@functools.partial(
    pl.kernel,
    out_type=jax.ShapeDtypeStruct((_B, _NP), jnp.float32),
    mesh=_mesh,
    scratch_types=[
        pltpu.VMEM((_SEQ, _BPW), jnp.int32),
        pltpu.VMEM((_NSLOT, _BPW, _NP), jnp.float32),
        pltpu.VMEM((_BPW, _NP), jnp.float32),
        pltpu.SemaphoreType.DMA,
        pltpu.SemaphoreType.DMA,
        pltpu.SemaphoreType.DMA,
        pltpu.SemaphoreType.DMA,
    ],
    compiler_params=pltpu.CompilerParams(use_tc_tiling_on_sc=False),
)
def _sc_pool(x_hbm, tab_hbm, out_hbm, idx_v, rows_v, pooled_v, s0, s1, s2, s3):
    wid = lax.axis_index("s") * _NC + lax.axis_index("c")
    base = wid * _BPW
    pltpu.sync_copy(x_hbm.at[:, pl.ds(base, _BPW)], idx_v)

    def xform_body(s, carry):
        for l in range(_BPW // _LANES):
            v = idx_v[s, pl.ds(l * _LANES, _LANES)]
            k = v & (_CBLK - 1)
            idx_v[s, pl.ds(l * _LANES, _LANES)] = (
                (v - k) + ((k & (_PBLK - 1)) << 3) + (k >> _PSH)
            )
        return carry

    lax.fori_loop(0, _SEQ, xform_body, 0, unroll=2)

    sems = (s0, s1, s2, s3)

    def start(r, slot):
        pltpu.async_copy(tab_hbm.at[idx_v.at[r]], rows_v.at[slot], sems[slot])

    def drain(slot):
        pltpu.make_async_copy(
            tab_hbm.at[pl.ds(0, _BPW)], rows_v.at[slot], sems[slot]
        ).wait()

    def zero_body(j, carry):
        pooled_v[j, pl.ds(0, _NP)] = jnp.zeros((_NP,), jnp.float32)
        return carry

    lax.fori_loop(0, _BPW, zero_body, 0)

    for slot in range(_NSLOT - 1):
        start(slot, slot)

    def accum(slot):
        def body(j, carry):
            plsc.addupdate(
                pooled_v.at[j, pl.ds(0, _NP)],
                rows_v[slot, j, pl.ds(0, _NP)],
            )
            return carry

        lax.fori_loop(0, _BPW, body, 0, unroll=8)

    def outer(g, carry):
        for k in range(_NSLOT):
            r = g * _NSLOT + k
            drain(k)

            @pl.when(r + _NSLOT - 1 < _SEQ)
            def _():
                start(r + _NSLOT - 1, (k + _NSLOT - 1) % _NSLOT)

            accum(k)
        return carry

    lax.fori_loop(0, _SEQ // _NSLOT, outer, 0)

    pltpu.sync_copy(pooled_v, out_hbm.at[pl.ds(base, _BPW)])


def _tc_head(p_ref, b_ref, o_ref):
    o_ref[...] = p_ref[...][:, 0:_NCLS] * (1.0 / _SEQ) + b_ref[...]


def kernel(x, table, W, b):
    wpad = jnp.zeros((_NP, _D), jnp.float32).at[0:_NCLS].set(W)
    lin = pl.pallas_call(
        _tc_proj,
        grid=(_NBLK,),
        in_specs=[
            pl.BlockSpec((_NP, _D), lambda i: (0, 0)),
            pl.BlockSpec((_D, _CBLK), lambda i: (0, i)),
        ],
        out_specs=pl.BlockSpec((_PBLK, 8 * _NP), lambda i: (i, 0)),
        out_shape=jax.ShapeDtypeStruct((_NBLK * _PBLK, 8 * _NP), jnp.float32),
    )(wpad, table.T)
    tabp = lin.reshape(_DECL, _NP)
    pooled = _sc_pool(x.astype(jnp.int32), tabp)
    return pl.pallas_call(
        _tc_head,
        out_shape=jax.ShapeDtypeStruct((_B, _NCLS), jnp.float32),
    )(pooled, b.reshape(1, _NCLS))

# --- scband reference (transcript-rebuilt; emitter-appended) ---
"""Pipeline reference for scband-word-avgmodel-4243427688823 (READ-ONLY COPY).

The authoritative reference and input builder live on the scoring server;
editing this copy changes nothing except your own understanding.
"""

import jax, jax.numpy as jnp
import numpy as np

VOCAB = 1000000
EMBED_DIM = 64
NUM_CLASS = 10
SEQ_LEN = 200
BATCH = 4096


def setup_inputs(seed: int = 0) -> dict:
    key = jax.random.key(seed)
    k1, k2, k3, k4 = jax.random.split(key, 4)
    x = jax.random.randint(k1, (SEQ_LEN, BATCH), 0, VOCAB, dtype=jnp.int64) if jax.config.jax_enable_x64 else jax.random.randint(k1, (SEQ_LEN, BATCH), 0, VOCAB, dtype=jnp.int32)
    table = jax.random.normal(k2, (VOCAB, EMBED_DIM), dtype=jnp.float32) * 0.02
    W = jax.random.normal(k3, (NUM_CLASS, EMBED_DIM), dtype=jnp.float32) * 0.02
    b = jax.random.normal(k4, (NUM_CLASS,), dtype=jnp.float32) * 0.02
    return {"x": x, "table": table, "W": W, "b": b}


def reference(x, table, W, b):
    # nn.Embedding lookup: x is [seq_len, batch] -> emb [seq_len, batch, embed_dim]
    emb = jnp.take(table, x, axis=0)
    # permute(1, 0, 2) -> [batch, seq_len, embed_dim]
    emb = jnp.transpose(emb, (1, 0, 2))
    # F.avg_pool2d over (seq_len, 1) then squeeze -> mean over seq dim: [batch, embed_dim]
    pooled = jnp.mean(emb, axis=1)
    # dropout is identity at inference
    # fc: Linear(embed_dim, num_class) -> pooled @ W.T + b
    logits = pooled @ W.T + b
    return logits

if __name__ == "__main__":
    import jax
    _d = setup_inputs()
    print(jax.jit(kernel)(*tuple(_d.values())))

</pallas_src>

<mosaic_0001>
#map = affine_map<(d0, d1) -> (0, 0)>
module attributes {stable_mosaic.version = 14 : i64} {
  func.func @_sc_pool(%arg0: i32, %arg1: i32, %arg2: memref<200x4096xi32, #tpu.memory_space<hbm>>, %arg3: memref<1015808x16xf32, #tpu.memory_space<hbm>>, %arg4: memref<4096x16xf32, #tpu.memory_space<hbm>>, %arg5: memref<200x128xi32, #tpu.memory_space<vmem>>, %arg6: memref<4x128x16xf32, #tpu.memory_space<vmem>>, %arg7: memref<128x16xf32, #tpu.memory_space<vmem>>, %arg8: memref<!tpu.dma_semaphore, #tpu.memory_space<semaphore_mem>>, %arg9: memref<!tpu.dma_semaphore, #tpu.memory_space<semaphore_mem>>, %arg10: memref<!tpu.dma_semaphore, #tpu.memory_space<semaphore_mem>>, %arg11: memref<!tpu.dma_semaphore, #tpu.memory_space<semaphore_mem>>) attributes {dimension_semantics = [#tpu.dimension_semantics<core_parallel>, #tpu.dimension_semantics<subcore_parallel>], iteration_bounds = array<i64: 2, 16>, scalar_prefetch = 0 : i64, scratch_operands = 7 : i64, tpu.core_type = #tpu.core_type<sc_vector_subcore>, window_params = [{transform_indices = #map}, {transform_indices = #map}, {transform_indices = #map}]} {
    %mul3A = arith.constant 2 : i32
    %mul3A_0 = arith.muli %arg1, %mul3A : i32
    %add3A = arith.addi %mul3A_0, %arg0 : i32
    %mul3A_1 = arith.constant 128 : i32
    %mul3A_2 = arith.muli %add3A, %mul3A_1 : i32
    "tpu.region"() ({
      %run_scoped3A = tpu.sem_alloc : memref<!tpu.dma_semaphore, #tpu.memory_space<semaphore_mem>>
      %dma_start3A_55 = arith.constant 0 : i32
      %dma_start3A_56 = tpu.memref_slice %arg2[%dma_start3A_55, %mul3A_2] : memref<200x4096xi32, #tpu.memory_space<hbm>> -> memref<200x128xi32, #tpu.memory_space<hbm>>
      %dma_start3A_57 = arith.constant 0 : i32
      %dma_start3A_58 = tpu.memref_slice %arg2[%dma_start3A_57, %mul3A_2] : memref<200x4096xi32, #tpu.memory_space<hbm>> -> memref<200x128xi32, #tpu.memory_space<hbm>>
      tpu.enqueue_dma source(%dma_start3A_58 : memref<200x128xi32, #tpu.memory_space<hbm>>) target(%arg5 : memref<200x128xi32, #tpu.memory_space<vmem>>) target_semaphore(%run_scoped3A : memref<!tpu.dma_semaphore, #tpu.memory_space<semaphore_mem>>)
      %dma_wait3A = arith.constant 0 : i32
      %dma_wait3A_59 = tpu.memref_slice %arg2[%dma_wait3A, %mul3A_2] : memref<200x4096xi32, #tpu.memory_space<hbm>> -> memref<200x128xi32, #tpu.memory_space<hbm>>
      %dma_wait3A_60 = arith.constant 0 : i32
      %dma_wait3A_61 = tpu.memref_slice %arg2[%dma_wait3A_60, %mul3A_2] : memref<200x4096xi32, #tpu.memory_space<hbm>> -> memref<200x128xi32, #tpu.memory_space<hbm>>
      tpu.wait_dma2 semaphore(%run_scoped3A : memref<!tpu.dma_semaphore, #tpu.memory_space<semaphore_mem>>) src(%dma_wait3A_61 : memref<200x128xi32, #tpu.memory_space<hbm>>) dst(%arg5 : memref<200x128xi32, #tpu.memory_space<vmem>>)
      tpu.yield
    }) : () -> ()
    %scan3A = arith.constant 0 : i32
    %scan3A_3 = arith.constant 0 : i32
    %scan3A_4 = arith.constant 200 : i32
    %scan3A_5 = arith.addi %scan3A_3, %scan3A_4 : i32
    %scan3A_6 = arith.constant 2 : i32
    scf.for %scan3A_55 = %scan3A_3 to %scan3A_5 step %scan3A_6  : i32 {
      %get3A = arith.index_cast %scan3A_55 : i32 to index
      %get3A_56 = arith.constant 0 : index
      %get3A_57 = tpu.vector_load %arg5[%get3A, %get3A_56] {strides = array<i32>} : memref<200x128xi32, #tpu.memory_space<vmem>>, vector<1x16xi32>,
      %get3A_58 = vector.shape_cast %get3A_57 : vector<1x16xi32> to vector<16xi32>
      %and3A = arith.constant 32767 : i32
      %and3A_59 = vector.broadcast %and3A : i32 to vector<16xi32>
      %and3A_60 = arith.andi %get3A_58, %and3A_59 : vector<16xi32>
      %sub3A = arith.subi %get3A_58, %and3A_60 : vector<16xi32>
      %and3A_61 = arith.constant 4095 : i32
      %and3A_62 = vector.broadcast %and3A_61 : i32 to vector<16xi32>
      %and3A_63 = arith.andi %and3A_60, %and3A_62 : vector<16xi32>
      %shift_left3A = arith.constant 3 : i32
      %shift_left3A_64 = vector.broadcast %shift_left3A : i32 to vector<16xi32>
      %shift_left3A_65 = arith.shli %and3A_63, %shift_left3A_64 : vector<16xi32>
      %add3A_66 = arith.addi %sub3A, %shift_left3A_65 : vector<16xi32>
      %shift_right_arithmetic3A = arith.constant 12 : i32
      %shift_right_arithmetic3A_67 = vector.broadcast %shift_right_arithmetic3A : i32 to vector<16xi32>
      %shift_right_arithmetic3A_68 = arith.shrsi %and3A_60, %shift_right_arithmetic3A_67 : vector<16xi32>
      %add3A_69 = arith.addi %add3A_66, %shift_right_arithmetic3A_68 : vector<16xi32>
      %swap3A = arith.index_cast %scan3A_55 : i32 to index
      %swap3A_70 = arith.constant 0 : index
      %swap3A_71 = tpu.vector_load %arg5[%swap3A, %swap3A_70] {strides = array<i32>} : memref<200x128xi32, #tpu.memory_space<vmem>>, vector<1x16xi32>,
      %swap3A_72 = vector.shape_cast %swap3A_71 : vector<1x16xi32> to vector<16xi32>
      %swap3A_73 = vector.shape_cast %add3A_69 : vector<16xi32> to vector<1x16xi32>
      tpu.vector_store %arg5[%swap3A, %swap3A_70], %swap3A_73 {strides = array<i32>} : memref<200x128xi32, #tpu.memory_space<vmem>>, vector<1x16xi32>,
      %get3A_74 = arith.index_cast %scan3A_55 : i32 to index
      %get3A_75 = arith.constant 16 : index
      %get3A_76 = tpu.vector_load %arg5[%get3A_74, %get3A_75] {strides = array<i32>} : memref<200x128xi32, #tpu.memory_space<vmem>>, vector<1x16xi32>,
      %get3A_77 = vector.shape_cast %get3A_76 : vector<1x16xi32> to vector<16xi32>
      %and3A_78 = arith.constant 32767 : i32
      %and3A_79 = vector.broadcast %and3A_78 : i32 to vector<16xi32>
      %and3A_80 = arith.andi %get3A_77, %and3A_79 : vector<16xi32>
      %sub3A_81 = arith.subi %get3A_77, %and3A_80 : vector<16xi32>
      %and3A_82 = arith.constant 4095 : i32
      %and3A_83 = vector.broadcast %and3A_82 : i32 to vector<16xi32>
      %and3A_84 = arith.andi %and3A_80, %and3A_83 : vector<16xi32>
      %shift_left3A_85 = arith.constant 3 : i32
      %shift_left3A_86 = vector.broadcast %shift_left3A_85 : i32 to vector<16xi32>
      %shift_left3A_87 = arith.shli %and3A_84, %shift_left3A_86 : vector<16xi32>
      %add3A_88 = arith.addi %sub3A_81, %shift_left3A_87 : vector<16xi32>
      %shift_right_arithmetic3A_89 = arith.constant 12 : i32
      %shift_right_arithmetic3A_90 = vector.broadcast %shift_right_arithmetic3A_89 : i32 to vector<16xi32>
      %shift_right_arithmetic3A_91 = arith.shrsi %and3A_80, %shift_right_arithmetic3A_90 : vector<16xi32>
      %add3A_92 = arith.addi %add3A_88, %shift_right_arithmetic3A_91 : vector<16xi32>
      %swap3A_93 = arith.index_cast %scan3A_55 : i32 to index
      %swap3A_94 = arith.constant 16 : index
      %swap3A_95 = tpu.vector_load %arg5[%swap3A_93, %swap3A_94] {strides = array<i32>} : memref<200x128xi32, #tpu.memory_space<vmem>>, vector<1x16xi32>,
      %swap3A_96 = vector.shape_cast %swap3A_95 : vector<1x16xi32> to vector<16xi32>
      %swap3A_97 = vector.shape_cast %add3A_92 : vector<16xi32> to vector<1x16xi32>
      tpu.vector_store %arg5[%swap3A_93, %swap3A_94], %swap3A_97 {strides = array<i32>} : memref<200x128xi32, #tpu.memory_space<vmem>>, vector<1x16xi32>,
      %get3A_98 = arith.index_cast %scan3A_55 : i32 to index
      %get3A_99 = arith.constant 32 : index
      %get3A_100 = tpu.vector_load %arg5[%get3A_98, %get3A_99] {strides = array<i32>} : memref<200x128xi32, #tpu.memory_space<vmem>>, vector<1x16xi32>,
      %get3A_101 = vector.shape_cast %get3A_100 : vector<1x16xi32> to vector<16xi32>
      %and3A_102 = arith.constant 32767 : i32
      %and3A_103 = vector.broadcast %and3A_102 : i32 to vector<16xi32>
      %and3A_104 = arith.andi %get3A_101, %and3A_103 : vector<16xi32>
      %sub3A_105 = arith.subi %get3A_101, %and3A_104 : vector<16xi32>
      %and3A_106 = arith.constant 4095 : i32
      %and3A_107 = vector.broadcast %and3A_106 : i32 to vector<16xi32>
      %and3A_108 = arith.andi %and3A_104, %and3A_107 : vector<16xi32>
      %shift_left3A_109 = arith.constant 3 : i32
      %shift_left3A_110 = vector.broadcast %shift_left3A_109 : i32 to vector<16xi32>
      %shift_left3A_111 = arith.shli %and3A_108, %shift_left3A_110 : vector<16xi32>
      %add3A_112 = arith.addi %sub3A_105, %shift_left3A_111 : vector<16xi32>
      %shift_right_arithmetic3A_113 = arith.constant 12 : i32
      %shift_right_arithmetic3A_114 = vector.broadcast %shift_right_arithmetic3A_113 : i32 to vector<16xi32>
      %shift_right_arithmetic3A_115 = arith.shrsi %and3A_104, %shift_right_arithmetic3A_114 : vector<16xi32>
      %add3A_116 = arith.addi %add3A_112, %shift_right_arithmetic3A_115 : vector<16xi32>
      %swap3A_117 = arith.index_cast %scan3A_55 : i32 to index
      %swap3A_118 = arith.constant 32 : index
      %swap3A_119 = tpu.vector_load %arg5[%swap3A_117, %swap3A_118] {strides = array<i32>} : memref<200x128xi32, #tpu.memory_space<vmem>>, vector<1x16xi32>,
      %swap3A_120 = vector.shape_cast %swap3A_119 : vector<1x16xi32> to vector<16xi32>
      %swap3A_121 = vector.shape_cast %add3A_116 : vector<16xi32> to vector<1x16xi32>
      tpu.vector_store %arg5[%swap3A_117, %swap3A_118], %swap3A_121 {strides = array<i32>} : memref<200x128xi32, #tpu.memory_space<vmem>>, vector<1x16xi32>,
      %get3A_122 = arith.index_cast %scan3A_55 : i32 to index
      %get3A_123 = arith.constant 48 : index
      %get3A_124 = tpu.vector_load %arg5[%get3A_122, %get3A_123] {strides = array<i32>} : memref<200x128xi32, #tpu.memory_space<vmem>>, vector<1x16xi32>,
      %get3A_125 = vector.shape_cast %get3A_124 : vector<1x16xi32> to vector<16xi32>
      %and3A_126 = arith.constant 32767 : i32
      %and3A_127 = vector.broadcast %and3A_126 : i32 to vector<16xi32>
      %and3A_128 = arith.andi %get3A_125, %and3A_127 : vector<16xi32>
      %sub3A_129 = arith.subi %get3A_125, %and3A_128 : vector<16xi32>
      %and3A_130 = arith.constant 4095 : i32
      %and3A_131 = vector.broadcast %and3A_130 : i32 to vector<16xi32>
      %and3A_132 = arith.andi %and3A_128, %and3A_131 : vector<16xi32>
      %shift_left3A_133 = arith.constant 3 : i32
      %shift_left3A_134 = vector.broadcast %shift_left3A_133 : i32 to vector<16xi32>
      %shift_left3A_135 = arith.shli %and3A_132, %shift_left3A_134 : vector<16xi32>
      %add3A_136 = arith.addi %sub3A_129, %shift_left3A_135 : vector<16xi32>
      %shift_right_arithmetic3A_137 = arith.constant 12 : i32
      %shift_right_arithmetic3A_138 = vector.broadcast %shift_right_arithmetic3A_137 : i32 to vector<16xi32>
      %shift_right_arithmetic3A_139 = arith.shrsi %and3A_128, %shift_right_arithmetic3A_138 : vector<16xi32>
      %add3A_140 = arith.addi %add3A_136, %shift_right_arithmetic3A_139 : vector<16xi32>
      %swap3A_141 = arith.index_cast %scan3A_55 : i32 to index
      %swap3A_142 = arith.constant 48 : index
      %swap3A_143 = tpu.vector_load %arg5[%swap3A_141, %swap3A_142] {strides = array<i32>} : memref<200x128xi32, #tpu.memory_space<vmem>>, vector<1x16xi32>,
      %swap3A_144 = vector.shape_cast %swap3A_143 : vector<1x16xi32> to vector<16xi32>
      %swap3A_145 = vector.shape_cast %add3A_140 : vector<16xi32> to vector<1x16xi32>
      tpu.vector_store %arg5[%swap3A_141, %swap3A_142], %swap3A_145 {strides = array<i32>} : memref<200x128xi32, #tpu.memory_space<vmem>>, vector<1x16xi32>,
      %get3A_146 = arith.index_cast %scan3A_55 : i32 to index
      %get3A_147 = arith.constant 64 : index
      %get3A_148 = tpu.vector_load %arg5[%get3A_146, %get3A_147] {strides = array<i32>} : memref<200x128xi32, #tpu.memory_space<vmem>>, vector<1x16xi32>,
      %get3A_149 = vector.shape_cast %get3A_148 : vector<1x16xi32> to vector<16xi32>
      %and3A_150 = arith.constant 32767 : i32
      %and3A_151 = vector.broadcast %and3A_150 : i32 to vector<16xi32>
      %and3A_152 = arith.andi %get3A_149, %and3A_151 : vector<16xi32>
      %sub3A_153 = arith.subi %get3A_149, %and3A_152 : vector<16xi32>
      %and3A_154 = arith.constant 4095 : i32
      %and3A_155 = vector.broadcast %and3A_154 : i32 to vector<16xi32>
      %and3A_156 = arith.andi %and3A_152, %and3A_155 : vector<16xi32>
      %shift_left3A_157 = arith.constant 3 : i32
      %shift_left3A_158 = vector.broadcast %shift_left3A_157 : i32 to vector<16xi32>
      %shift_left3A_159 = arith.shli %and3A_156, %shift_left3A_158 : vector<16xi32>
      %add3A_160 = arith.addi %sub3A_153, %shift_left3A_159 : vector<16xi32>
      %shift_right_arithmetic3A_161 = arith.constant 12 : i32
      %shift_right_arithmetic3A_162 = vector.broadcast %shift_right_arithmetic3A_161 : i32 to vector<16xi32>
      %shift_right_arithmetic3A_163 = arith.shrsi %and3A_152, %shift_right_arithmetic3A_162 : vector<16xi32>
      %add3A_164 = arith.addi %add3A_160, %shift_right_arithmetic3A_163 : vector<16xi32>
      %swap3A_165 = arith.index_cast %scan3A_55 : i32 to index
      %swap3A_166 = arith.constant 64 : index
      %swap3A_167 = tpu.vector_load %arg5[%swap3A_165, %swap3A_166] {strides = array<i32>} : memref<200x128xi32, #tpu.memory_space<vmem>>, vector<1x16xi32>,
      %swap3A_168 = vector.shape_cast %swap3A_167 : vector<1x16xi32> to vector<16xi32>
      %swap3A_169 = vector.shape_cast %add3A_164 : vector<16xi32> to vector<1x16xi32>
      tpu.vector_store %arg5[%swap3A_165, %swap3A_166], %swap3A_169 {strides = array<i32>} : memref<200x128xi32, #tpu.memory_space<vmem>>, vector<1x16xi32>,
      %get3A_170 = arith.index_cast %scan3A_55 : i32 to index
      %get3A_171 = arith.constant 80 : index
      %get3A_172 = tpu.vector_load %arg5[%get3A_170, %get3A_171] {strides = array<i32>} : memref<200x128xi32, #tpu.memory_space<vmem>>, vector<1x16xi32>,
      %get3A_173 = vector.shape_cast %get3A_172 : vector<1x16xi32> to vector<16xi32>
      %and3A_174 = arith.constant 32767 : i32
      %and3A_175 = vector.broadcast %and3A_174 : i32 to vector<16xi32>
      %and3A_176 = arith.andi %get3A_173, %and3A_175 : vector<16xi32>
      %sub3A_177 = arith.subi %get3A_173, %and3A_176 : vector<16xi32>
      %and3A_178 = arith.constant 4095 : i32
      %and3A_179 = vector.broadcast %and3A_178 : i32 to vector<16xi32>
      %and3A_180 = arith.andi %and3A_176, %and3A_179 : vector<16xi32>
      %shift_left3A_181 = arith.constant 3 : i32
      %shift_left3A_182 = vector.broadcast %shift_left3A_181 : i32 to vector<16xi32>
      %shift_left3A_183 = arith.shli %and3A_180, %shift_left3A_182 : vector<16xi32>
      %add3A_184 = arith.addi %sub3A_177, %shift_left3A_183 : vector<16xi32>
      %shift_right_arithmetic3A_185 = arith.constant 12 : i32
      %shift_right_arithmetic3A_186 = vector.broadcast %shift_right_arithmetic3A_185 : i32 to vector<16xi32>
      %shift_right_arithmetic3A_187 = arith.shrsi %and3A_176, %shift_right_arithmetic3A_186 : vector<16xi32>
      %add3A_188 = arith.addi %add3A_184, %shift_right_arithmetic3A_187 : vector<16xi32>
      %swap3A_189 = arith.index_cast %scan3A_55 : i32 to index
      %swap3A_190 = arith.constant 80 : index
      %swap3A_191 = tpu.vector_load %arg5[%swap3A_189, %swap3A_190] {strides = array<i32>} : memref<200x128xi32, #tpu.memory_space<vmem>>, vector<1x16xi32>,
      %swap3A_192 = vector.shape_cast %swap3A_191 : vector<1x16xi32> to vector<16xi32>
      %swap3A_193 = vector.shape_cast %add3A_188 : vector<16xi32> to vector<1x16xi32>
      tpu.vector_store %arg5[%swap3A_189, %swap3A_190], %swap3A_193 {strides = array<i32>} : memref<200x128xi32, #tpu.memory_space<vmem>>, vector<1x16xi32>,
      %get3A_194 = arith.index_cast %scan3A_55 : i32 to index
      %get3A_195 = arith.constant 96 : index
      %get3A_196 = tpu.vector_load %arg5[%get3A_194, %get3A_195] {strides = array<i32>} : memref<200x128xi32, #tpu.memory_space<vmem>>, vector<1x16xi32>,
      %get3A_197 = vector.shape_cast %get3A_196 : vector<1x16xi32> to vector<16xi32>
      %and3A_198 = arith.constant 32767 : i32
      %and3A_199 = vector.broadcast %and3A_198 : i32 to vector<16xi32>
      %and3A_200 = arith.andi %get3A_197, %and3A_199 : vector<16xi32>
      %sub3A_201 = arith.subi %get3A_197, %and3A_200 : vector<16xi32>
      %and3A_202 = arith.constant 4095 : i32
      %and3A_203 = vector.broadcast %and3A_202 : i32 to vector<16xi32>
      %and3A_204 = arith.andi %and3A_200, %and3A_203 : vector<16xi32>
      %shift_left3A_205 = arith.constant 3 : i32
      %shift_left3A_206 = vector.broadcast %shift_left3A_205 : i32 to vector<16xi32>
      %shift_left3A_207 = arith.shli %and3A_204, %shift_left3A_206 : vector<16xi32>
      %add3A_208 = arith.addi %sub3A_201, %shift_left3A_207 : vector<16xi32>
      %shift_right_arithmetic3A_209 = arith.constant 12 : i32
      %shift_right_arithmetic3A_210 = vector.broadcast %shift_right_arithmetic3A_209 : i32 to vector<16xi32>
      %shift_right_arithmetic3A_211 = arith.shrsi %and3A_200, %shift_right_arithmetic3A_210 : vector<16xi32>
      %add3A_212 = arith.addi %add3A_208, %shift_right_arithmetic3A_211 : vector<16xi32>
      %swap3A_213 = arith.index_cast %scan3A_55 : i32 to index
      %swap3A_214 = arith.constant 96 : index
      %swap3A_215 = tpu.vector_load %arg5[%swap3A_213, %swap3A_214] {strides = array<i32>} : memref<200x128xi32, #tpu.memory_space<vmem>>, vector<1x16xi32>,
      %swap3A_216 = vector.shape_cast %swap3A_215 : vector<1x16xi32> to vector<16xi32>
      %swap3A_217 = vector.shape_cast %add3A_212 : vector<16xi32> to vector<1x16xi32>
      tpu.vector_store %arg5[%swap3A_213, %swap3A_214], %swap3A_217 {strides = array<i32>} : memref<200x128xi32, #tpu.memory_space<vmem>>, vector<1x16xi32>,
      %get3A_218 = arith.index_cast %scan3A_55 : i32 to index
      %get3A_219 = arith.constant 112 : index
      %get3A_220 = tpu.vector_load %arg5[%get3A_218, %get3A_219] {strides = array<i32>} : memref<200x128xi32, #tpu.memory_space<vmem>>, vector<1x16xi32>,
      %get3A_221 = vector.shape_cast %get3A_220 : vector<1x16xi32> to vector<16xi32>
      %and3A_222 = arith.constant 32767 : i32
      %and3A_223 = vector.broadcast %and3A_222 : i32 to vector<16xi32>
      %and3A_224 = arith.andi %get3A_221, %and3A_223 : vector<16xi32>
      %sub3A_225 = arith.subi %get3A_221, %and3A_224 : vector<16xi32>
      %and3A_226 = arith.constant 4095 : i32
      %and3A_227 = vector.broadcast %and3A_226 : i32 to vector<16xi32>
      %and3A_228 = arith.andi %and3A_224, %and3A_227 : vector<16xi32>
      %shift_left3A_229 = arith.constant 3 : i32
      %shift_left3A_230 = vector.broadcast %shift_left3A_229 : i32 to vector<16xi32>
      %shift_left3A_231 = arith.shli %and3A_228, %shift_left3A_230 : vector<16xi32>
      %add3A_232 = arith.addi %sub3A_225, %shift_left3A_231 : vector<16xi32>
      %shift_right_arithmetic3A_233 = arith.constant 12 : i32
      %shift_right_arithmetic3A_234 = vector.broadcast %shift_right_arithmetic3A_233 : i32 to vector<16xi32>
      %shift_right_arithmetic3A_235 = arith.shrsi %and3A_224, %shift_right_arithmetic3A_234 : vector<16xi32>
      %add3A_236 = arith.addi %add3A_232, %shift_right_arithmetic3A_235 : vector<16xi32>
      %swap3A_237 = arith.index_cast %scan3A_55 : i32 to index
      %swap3A_238 = arith.constant 112 : index
      %swap3A_239 = tpu.vector_load %arg5[%swap3A_237, %swap3A_238] {strides = array<i32>} : memref<200x128xi32, #tpu.memory_space<vmem>>, vector<1x16xi32>,
      %swap3A_240 = vector.shape_cast %swap3A_239 : vector<1x16xi32> to vector<16xi32>
      %swap3A_241 = vector.shape_cast %add3A_236 : vector<16xi32> to vector<1x16xi32>
      tpu.vector_store %arg5[%swap3A_237, %swap3A_238], %swap3A_241 {strides = array<i32>} : memref<200x128xi32, #tpu.memory_space<vmem>>, vector<1x16xi32>,
      %scan3A_242 = arith.constant 1 : i32
      %scan3A_243 = arith.addi %scan3A_55, %scan3A_242 : i32
      %get3A_244 = arith.index_cast %scan3A_243 : i32 to index
      %get3A_245 = arith.constant 0 : index
      %get3A_246 = tpu.vector_load %arg5[%get3A_244, %get3A_245] {strides = array<i32>} : memref<200x128xi32, #tpu.memory_space<vmem>>, vector<1x16xi32>,
      %get3A_247 = vector.shape_cast %get3A_246 : vector<1x16xi32> to vector<16xi32>
      %and3A_248 = arith.constant 32767 : i32
      %and3A_249 = vector.broadcast %and3A_248 : i32 to vector<16xi32>
      %and3A_250 = arith.andi %get3A_247, %and3A_249 : vector<16xi32>
      %sub3A_251 = arith.subi %get3A_247, %and3A_250 : vector<16xi32>
      %and3A_252 = arith.constant 4095 : i32
      %and3A_253 = vector.broadcast %and3A_252 : i32 to vector<16xi32>
      %and3A_254 = arith.andi %and3A_250, %and3A_253 : vector<16xi32>
      %shift_left3A_255 = arith.constant 3 : i32
      %shift_left3A_256 = vector.broadcast %shift_left3A_255 : i32 to vector<16xi32>
      %shift_left3A_257 = arith.shli %and3A_254, %shift_left3A_256 : vector<16xi32>
      %add3A_258 = arith.addi %sub3A_251, %shift_left3A_257 : vector<16xi32>
      %shift_right_arithmetic3A_259 = arith.constant 12 : i32
      %shift_right_arithmetic3A_260 = vector.broadcast %shift_right_arithmetic3A_259 : i32 to vector<16xi32>
      %shift_right_arithmetic3A_261 = arith.shrsi %and3A_250, %shift_right_arithmetic3A_260 : vector<16xi32>
      %add3A_262 = arith.addi %add3A_258, %shift_right_arithmetic3A_261 : vector<16xi32>
      %swap3A_263 = arith.index_cast %scan3A_243 : i32 to index
      %swap3A_264 = arith.constant 0 : index
      %swap3A_265 = tpu.vector_load %arg5[%swap3A_263, %swap3A_264] {strides = array<i32>} : memref<200x128xi32, #tpu.memory_space<vmem>>, vector<1x16xi32>,
      %swap3A_266 = vector.shape_cast %swap3A_265 : vector<1x16xi32> to vector<16xi32>
      %swap3A_267 = vector.shape_cast %add3A_262 : vector<16xi32> to vector<1x16xi32>
      tpu.vector_store %arg5[%swap3A_263, %swap3A_264], %swap3A_267 {strides = array<i32>} : memref<200x128xi32, #tpu.memory_space<vmem>>, vector<1x16xi32>,
      %get3A_268 = arith.index_cast %scan3A_243 : i32 to index
      %get3A_269 = arith.constant 16 : index
      %get3A_270 = tpu.vector_load %arg5[%get3A_268, %get3A_269] {strides = array<i32>} : memref<200x128xi32, #tpu.memory_space<vmem>>, vector<1x16xi32>,
      %get3A_271 = vector.shape_cast %get3A_270 : vector<1x16xi32> to vector<16xi32>
      %and3A_272 = arith.constant 32767 : i32
      %and3A_273 = vector.broadcast %and3A_272 : i32 to vector<16xi32>
      %and3A_274 = arith.andi %get3A_271, %and3A_273 : vector<16xi32>
      %sub3A_275 = arith.subi %get3A_271, %and3A_274 : vector<16xi32>
      %and3A_276 = arith.constant 4095 : i32
      %and3A_277 = vector.broadcast %and3A_276 : i32 to vector<16xi32>
      %and3A_278 = arith.andi %and3A_274, %and3A_277 : vector<16xi32>
      %shift_left3A_279 = arith.constant 3 : i32
      %shift_left3A_280 = vector.broadcast %shift_left3A_279 : i32 to vector<16xi32>
      %shift_left3A_281 = arith.shli %and3A_278, %shift_left3A_280 : vector<16xi32>
      %add3A_282 = arith.addi %sub3A_275, %shift_left3A_281 : vector<16xi32>
      %shift_right_arithmetic3A_283 = arith.constant 12 : i32
      %shift_right_arithmetic3A_284 = vector.broadcast %shift_right_arithmetic3A_283 : i32 to vector<16xi32>
      %shift_right_arithmetic3A_285 = arith.shrsi %and3A_274, %shift_right_arithmetic3A_284 : vector<16xi32>
      %add3A_286 = arith.addi %add3A_282, %shift_right_arithmetic3A_285 : vector<16xi32>
      %swap3A_287 = arith.index_cast %scan3A_243 : i32 to index
      %swap3A_288 = arith.constant 16 : index
      %swap3A_289 = tpu.vector_load %arg5[%swap3A_287, %swap3A_288] {strides = array<i32>} : memref<200x128xi32, #tpu.memory_space<vmem>>, vector<1x16xi32>,
      %swap3A_290 = vector.shape_cast %swap3A_289 : vector<1x16xi32> to vector<16xi32>
      %swap3A_291 = vector.shape_cast %add3A_286 : vector<16xi32> to vector<1x16xi32>
      tpu.vector_store %arg5[%swap3A_287, %swap3A_288], %swap3A_291 {strides = array<i32>} : memref<200x128xi32, #tpu.memory_space<vmem>>, vector<1x16xi32>,
      %get3A_292 = arith.index_cast %scan3A_243 : i32 to index
      %get3A_293 = arith.constant 32 : index
      %get3A_294 = tpu.vector_load %arg5[%get3A_292, %get3A_293] {strides = array<i32>} : memref<200x128xi32, #tpu.memory_space<vmem>>, vector<1x16xi32>,
      %get3A_295 = vector.shape_cast %get3A_294 : vector<1x16xi32> to vector<16xi32>
      %and3A_296 = arith.constant 32767 : i32
      %and3A_297 = vector.broadcast %and3A_296 : i32 to vector<16xi32>
      %and3A_298 = arith.andi %get3A_295, %and3A_297 : vector<16xi32>
      %sub3A_299 = arith.subi %get3A_295, %and3A_298 : vector<16xi32>
      %and3A_300 = arith.constant 4095 : i32
      %and3A_301 = vector.broadcast %and3A_300 : i32 to vector<16xi32>
      %and3A_302 = arith.andi %and3A_298, %and3A_301 : vector<16xi32>
      %shift_left3A_303 = arith.constant 3 : i32
      %shift_left3A_304 = vector.broadcast %shift_left3A_303 : i32 to vector<16xi32>
      %shift_left3A_305 = arith.shli %and3A_302, %shift_left3A_304 : vector<16xi32>
      %add3A_306 = arith.addi %sub3A_299, %shift_left3A_305 : vector<16xi32>
      %shift_right_arithmetic3A_307 = arith.constant 12 : i32
      %shift_right_arithmetic3A_308 = vector.broadcast %shift_right_arithmetic3A_307 : i32 to vector<16xi32>
      %shift_right_arithmetic3A_309 = arith.shrsi %and3A_298, %shift_right_arithmetic3A_308 : vector<16xi32>
      %add3A_310 = arith.addi %add3A_306, %shift_right_arithmetic3A_309 : vector<16xi32>
      %swap3A_311 = arith.index_cast %scan3A_243 : i32 to index
      %swap3A_312 = arith.constant 32 : index
      %swap3A_313 = tpu.vector_load %arg5[%swap3A_311, %swap3A_312] {strides = array<i32>} : memref<200x128xi32, #tpu.memory_space<vmem>>, vector<1x16xi32>,
      %swap3A_314 = vector.shape_cast %swap3A_313 : vector<1x16xi32> to vector<16xi32>
      %swap3A_315 = vector.shape_cast %add3A_310 : vector<16xi32> to vector<1x16xi32>
      tpu.vector_store %arg5[%swap3A_311, %swap3A_312], %swap3A_315 {strides = array<i32>} : memref<200x128xi32, #tpu.memory_space<vmem>>, vector<1x16xi32>,
      %get3A_316 = arith.index_cast %scan3A_243 : i32 to index
      %get3A_317 = arith.constant 48 : index
      %get3A_318 = tpu.vector_load %arg5[%get3A_316, %get3A_317] {strides = array<i32>} : memref<200x128xi32, #tpu.memory_space<vmem>>, vector<1x16xi32>,
      %get3A_319 = vector.shape_cast %get3A_318 : vector<1x16xi32> to vector<16xi32>
      %and3A_320 = arith.constant 32767 : i32
      %and3A_321 = vector.broadcast %and3A_320 : i32 to vector<16xi32>
      %and3A_322 = arith.andi %get3A_319, %and3A_321 : vector<16xi32>
      %sub3A_323 = arith.subi %get3A_319, %and3A_322 : vector<16xi32>
      %and3A_324 = arith.constant 4095 : i32
      %and3A_325 = vector.broadcast %and3A_324 : i32 to vector<16xi32>
      %and3A_326 = arith.andi %and3A_322, %and3A_325 : vector<16xi32>
      %shift_left3A_327 = arith.constant 3 : i32
      %shift_left3A_328 = vector.broadcast %shift_left3A_327 : i32 to vector<16xi32>
      %shift_left3A_329 = arith.shli %and3A_326, %shift_left3A_328 : vector<16xi32>
      %add3A_330 = arith.addi %sub3A_323, %shift_left3A_329 : vector<16xi32>
      %shift_right_arithmetic3A_331 = arith.constant 12 : i32
      %shift_right_arithmetic3A_332 = vector.broadcast %shift_right_arithmetic3A_331 : i32 to vector<16xi32>
      %shift_right_arithmetic3A_333 = arith.shrsi %and3A_322, %shift_right_arithmetic3A_332 : vector<16xi32>
      %add3A_334 = arith.addi %add3A_330, %shift_right_arithmetic3A_333 : vector<16xi32>
      %swap3A_335 = arith.index_cast %scan3A_243 : i32 to index
      %swap3A_336 = arith.constant 48 : index
      %swap3A_337 = tpu.vector_load %arg5[%swap3A_335, %swap3A_336] {strides = array<i32>} : memref<200x128xi32, #tpu.memory_space<vmem>>, vector<1x16xi32>,
      %swap3A_338 = vector.shape_cast %swap3A_337 : vector<1x16xi32> to vector<16xi32>
      %swap3A_339 = vector.shape_cast %add3A_334 : vector<16xi32> to vector<1x16xi32>
      tpu.vector_store %arg5[%swap3A_335, %swap3A_336], %swap3A_339 {strides = array<i32>} : memref<200x128xi32, #tpu.memory_space<vmem>>, vector<1x16xi32>,
      %get3A_340 = arith.index_cast %scan3A_243 : i32 to index
      %get3A_341 = arith.constant 64 : index
      %get3A_342 = tpu.vector_load %arg5[%get3A_340, %get3A_341] {strides = array<i32>} : memref<200x128xi32, #tpu.memory_space<vmem>>, vector<1x16xi32>,
      %get3A_343 = vector.shape_cast %get3A_342 : vector<1x16xi32> to vector<16xi32>
      %and3A_344 = arith.constant 32767 : i32
      %and3A_345 = vector.broadcast %and3A_344 : i32 to vector<16xi32>
      %and3A_346 = arith.andi %get3A_343, %and3A_345 : vector<16xi32>
      %sub3A_347 = arith.subi %get3A_343, %and3A_346 : vector<16xi32>
      %and3A_348 = arith.constant 4095 : i32
      %and3A_349 = vector.broadcast %and3A_348 : i32 to vector<16xi32>
      %and3A_350 = arith.andi %and3A_346, %and3A_349 : vector<16xi32>
      %shift_left3A_351 = arith.constant 3 : i32
      %shift_left3A_352 = vector.broadcast %shift_left3A_351 : i32 to vector<16xi32>
      %shift_left3A_353 = arith.shli %and3A_350, %shift_left3A_352 : vector<16xi32>
      %add3A_354 = arith.addi %sub3A_347, %shift_left3A_353 : vector<16xi32>
      %shift_right_arithmetic3A_355 = arith.constant 12 : i32
      %shift_right_arithmetic3A_356 = vector.broadcast %shift_right_arithmetic3A_355 : i32 to vector<16xi32>
      %shift_right_arithmetic3A_357 = arith.shrsi %and3A_346, %shift_right_arithmetic3A_356 : vector<16xi32>
      %add3A_358 = arith.addi %add3A_354, %shift_right_arithmetic3A_357 : vector<16xi32>
      %swap3A_359 = arith.index_cast %scan3A_243 : i32 to index
      %swap3A_360 = arith.constant 64 : index
      %swap3A_361 = tpu.vector_load %arg5[%swap3A_359, %swap3A_360] {strides = array<i32>} : memref<200x128xi32, #tpu.memory_space<vmem>>, vector<1x16xi32>,
      %swap3A_362 = vector.shape_cast %swap3A_361 : vector<1x16xi32> to vector<16xi32>
      %swap3A_363 = vector.shape_cast %add3A_358 : vector<16xi32> to vector<1x16xi32>
      tpu.vector_store %arg5[%swap3A_359, %swap3A_360], %swap3A_363 {strides = array<i32>} : memref<200x128xi32, #tpu.memory_space<vmem>>, vector<1x16xi32>,
      %get3A_364 = arith.index_cast %scan3A_243 : i32 to index
      %get3A_365 = arith.constant 80 : index
      %get3A_366 = tpu.vector_load %arg5[%get3A_364, %get3A_365] {strides = array<i32>} : memref<200x128xi32, #tpu.memory_space<vmem>>, vector<1x16xi32>,
      %get3A_367 = vector.shape_cast %get3A_366 : vector<1x16xi32> to vector<16xi32>
      %and3A_368 = arith.constant 32767 : i32
      %and3A_369 = vector.broadcast %and3A_368 : i32 to vector<16xi32>
      %and3A_370 = arith.andi %get3A_367, %and3A_369 : vector<16xi32>
      %sub3A_371 = arith.subi %get3A_367, %and3A_370 : vector<16xi32>
      %and3A_372 = arith.constant 4095 : i32
      %and3A_373 = vector.broadcast %and3A_372 : i32 to vector<16xi32>
      %and3A_374 = arith.andi %and3A_370, %and3A_373 : vector<16xi32>
      %shift_left3A_375 = arith.constant 3 : i32
      %shift_left3A_376 = vector.broadcast %shift_left3A_375 : i32 to vector<16xi32>
      %shift_left3A_377 = arith.shli %and3A_374, %shift_left3A_376 : vector<16xi32>
      %add3A_378 = arith.addi %sub3A_371, %shift_left3A_377 : vector<16xi32>
      %shift_right_arithmetic3A_379 = arith.constant 12 : i32
      %shift_right_arithmetic3A_380 = vector.broadcast %shift_right_arithmetic3A_379 : i32 to vector<16xi32>
      %shift_right_arithmetic3A_381 = arith.shrsi %and3A_370, %shift_right_arithmetic3A_380 : vector<16xi32>
      %add3A_382 = arith.addi %add3A_378, %shift_right_arithmetic3A_381 : vector<16xi32>
      %swap3A_383 = arith.index_cast %scan3A_243 : i32 to index
      %swap3A_384 = arith.constant 80 : index
      %swap3A_385 = tpu.vector_load %arg5[%swap3A_383, %swap3A_384] {strides = array<i32>} : memref<200x128xi32, #tpu.memory_space<vmem>>, vector<1x16xi32>,
      %swap3A_386 = vector.shape_cast %swap3A_385 : vector<1x16xi32> to vector<16xi32>
      %swap3A_387 = vector.shape_cast %add3A_382 : vector<16xi32> to vector<1x16xi32>
      tpu.vector_store %arg5[%swap3A_383, %swap3A_384], %swap3A_387 {strides = array<i32>} : memref<200x128xi32, #tpu.memory_space<vmem>>, vector<1x16xi32>,
      %get3A_388 = arith.index_cast %scan3A_243 : i32 to index
      %get3A_389 = arith.constant 96 : index
      %get3A_390 = tpu.vector_load %arg5[%get3A_388, %get3A_389] {strides = array<i32>} : memref<200x128xi32, #tpu.memory_space<vmem>>, vector<1x16xi32>,
      %get3A_391 = vector.shape_cast %get3A_390 : vector<1x16xi32> to vector<16xi32>
      %and3A_392 = arith.constant 32767 : i32
      %and3A_393 = vector.broadcast %and3A_392 : i32 to vector<16xi32>
      %and3A_394 = arith.andi %get3A_391, %and3A_393 : vector<16xi32>
      %sub3A_395 = arith.subi %get3A_391, %and3A_394 : vector<16xi32>
      %and3A_396 = arith.constant 4095 : i32
      %and3A_397 = vector.broadcast %and3A_396 : i32 to vector<16xi32>
      %and3A_398 = arith.andi %and3A_394, %and3A_397 : vector<16xi32>
      %shift_left3A_399 = arith.constant 3 : i32
      %shift_left3A_400 = vector.broadcast %shift_left3A_399 : i32 to vector<16xi32>
      %shift_left3A_401 = arith.shli %and3A_398, %shift_left3A_400 : vector<16xi32>
      %add3A_402 = arith.addi %sub3A_395, %shift_left3A_401 : vector<16xi32>
      %shift_right_arithmetic3A_403 = arith.constant 12 : i32
      %shift_right_arithmetic3A_404 = vector.broadcast %shift_right_arithmetic3A_403 : i32 to vector<16xi32>
      %shift_right_arithmetic3A_405 = arith.shrsi %and3A_394, %shift_right_arithmetic3A_404 : vector<16xi32>
      %add3A_406 = arith.addi %add3A_402, %shift_right_arithmetic3A_405 : vector<16xi32>
      %swap3A_407 = arith.index_cast %scan3A_243 : i32 to index
      %swap3A_408 = arith.constant 96 : index
      %swap3A_409 = tpu.vector_load %arg5[%swap3A_407, %swap3A_408] {strides = array<i32>} : memref<200x128xi32, #tpu.memory_space<vmem>>, vector<1x16xi32>,
      %swap3A_410 = vector.shape_cast %swap3A_409 : vector<1x16xi32> to vector<16xi32>
      %swap3A_411 = vector.shape_cast %add3A_406 : vector<16xi32> to vector<1x16xi32>
      tpu.vector_store %arg5[%swap3A_407, %swap3A_408], %swap3A_411 {strides = array<i32>} : memref<200x128xi32, #tpu.memory_space<vmem>>, vector<1x16xi32>,
      %get3A_412 = arith.index_cast %scan3A_243 : i32 to index
      %get3A_413 = arith.constant 112 : index
      %get3A_414 = tpu.vector_load %arg5[%get3A_412, %get3A_413] {strides = array<i32>} : memref<200x128xi32, #tpu.memory_space<vmem>>, vector<1x16xi32>,
      %get3A_415 = vector.shape_cast %get3A_414 : vector<1x16xi32> to vector<16xi32>
      %and3A_416 = arith.constant 32767 : i32
      %and3A_417 = vector.broadcast %and3A_416 : i32 to vector<16xi32>
      %and3A_418 = arith.andi %get3A_415, %and3A_417 : vector<16xi32>
      %sub3A_419 = arith.subi %get3A_415, %and3A_418 : vector<16xi32>
      %and3A_420 = arith.constant 4095 : i32
      %and3A_421 = vector.broadcast %and3A_420 : i32 to vector<16xi32>
      %and3A_422 = arith.andi %and3A_418, %and3A_421 : vector<16xi32>
      %shift_left3A_423 = arith.constant 3 : i32
      %shift_left3A_424 = vector.broadcast %shift_left3A_423 : i32 to vector<16xi32>
      %shift_left3A_425 = arith.shli %and3A_422, %shift_left3A_424 : vector<16xi32>
      %add3A_426 = arith.addi %sub3A_419, %shift_left3A_425 : vector<16xi32>
      %shift_right_arithmetic3A_427 = arith.constant 12 : i32
      %shift_right_arithmetic3A_428 = vector.broadcast %shift_right_arithmetic3A_427 : i32 to vector<16xi32>
      %shift_right_arithmetic3A_429 = arith.shrsi %and3A_418, %shift_right_arithmetic3A_428 : vector<16xi32>
      %add3A_430 = arith.addi %add3A_426, %shift_right_arithmetic3A_429 : vector<16xi32>
      %swap3A_431 = arith.index_cast %scan3A_243 : i32 to index
      %swap3A_432 = arith.constant 112 : index
      %swap3A_433 = tpu.vector_load %arg5[%swap3A_431, %swap3A_432] {strides = array<i32>} : memref<200x128xi32, #tpu.memory_space<vmem>>, vector<1x16xi32>,
      %swap3A_434 = vector.shape_cast %swap3A_433 : vector<1x16xi32> to vector<16xi32>
      %swap3A_435 = vector.shape_cast %add3A_430 : vector<16xi32> to vector<1x16xi32>
      tpu.vector_store %arg5[%swap3A_431, %swap3A_432], %swap3A_435 {strides = array<i32>} : memref<200x128xi32, #tpu.memory_space<vmem>>, vector<1x16xi32>,
    }
    %scan3A_7 = arith.constant 200 : i32
    %scan3A_8 = arith.constant 0 : i32
    %scan3A_9 = arith.constant 0 : i32
    %scan3A_10 = arith.constant 128 : i32
    %scan3A_11 = arith.addi %scan3A_9, %scan3A_10 : i32
    %scan3A_12 = arith.constant 1 : i32
    scf.for %scan3A_55 = %scan3A_9 to %scan3A_11 step %scan3A_12  : i32 {
      %broadcast_in_dim3A = arith.constant 0.000000e+00 : f32
      %broadcast_in_dim3A_56 = vector.broadcast %broadcast_in_dim3A : f32 to vector<16xf32>
      %swap3A = arith.index_cast %scan3A_55 : i32 to index
      %swap3A_57 = arith.constant 0 : index
      %swap3A_58 = tpu.vector_load %arg7[%swap3A, %swap3A_57] {strides = array<i32>} : memref<128x16xf32, #tpu.memory_space<vmem>>, vector<1x16xf32>,
      %swap3A_59 = vector.shape_cast %swap3A_58 : vector<1x16xf32> to vector<16xf32>
      %swap3A_60 = vector.shape_cast %broadcast_in_dim3A_56 : vector<16xf32> to vector<1x16xf32>
      tpu.vector_store %arg7[%swap3A, %swap3A_57], %swap3A_60 {strides = array<i32>} : memref<128x16xf32, #tpu.memory_space<vmem>>, vector<1x16xf32>,
    }
    %scan3A_13 = arith.constant 128 : i32
    %dma_start3A = arith.constant 0 : i32
    %dma_start3A_14 = arith.constant 0 : i32
    %dma_start3A_15 = arith.constant 0 : i32
    %dma_start3A_16 = arith.constant 0 : i32
    %dma_start3A_17 = tpu.memref_slice %arg6[%dma_start3A_14, %dma_start3A_15, %dma_start3A_16] : memref<4x128x16xf32, #tpu.memory_space<vmem>> -> memref<1x128x16xf32, #tpu.memory_space<vmem>>
    %dma_start3A_18 = tpu.memref_squeeze %dma_start3A_17 : memref<1x128x16xf32, #tpu.memory_space<vmem>> -> memref<128x16xf32, #tpu.memory_space<vmem>>
    %dma_start3A_19 = arith.constant 0 : i32
    %dma_start3A_20 = tpu.memref_slice %arg5[%dma_start3A, %dma_start3A_19] : memref<200x128xi32, #tpu.memory_space<vmem>> -> memref<1x128xi32, #tpu.memory_space<vmem>>
    %dma_start3A_21 = tpu.memref_squeeze %dma_start3A_20 : memref<1x128xi32, #tpu.memory_space<vmem>> -> memref<128xi32, #tpu.memory_space<vmem>>
    %dma_start3A_22 = arith.constant 0 : i32
    %dma_start3A_23 = arith.constant 0 : i32
    %dma_start3A_24 = tpu.memref_slice %arg3[%dma_start3A_22, %dma_start3A_23] : memref<1015808x16xf32, #tpu.memory_space<hbm>> -> memref<1015808x16xf32, #tpu.memory_space<hbm>>
    tpu.enqueue_indirect_dma source(%dma_start3A_24 : memref<1015808x16xf32, #tpu.memory_space<hbm>>) target(%dma_start3A_18 : memref<128x16xf32, #tpu.memory_space<vmem>>) offsets(%dma_start3A_21 : memref<128xi32, #tpu.memory_space<vmem>>) semaphore(%arg8 : memref<!tpu.dma_semaphore, #tpu.memory_space<semaphore_mem>>)
    %dma_start3A_25 = arith.constant 1 : i32
    %dma_start3A_26 = arith.constant 1 : i32
    %dma_start3A_27 = arith.constant 0 : i32
    %dma_start3A_28 = arith.constant 0 : i32
    %dma_start3A_29 = tpu.memref_slice %arg6[%dma_start3A_26, %dma_start3A_27, %dma_start3A_28] : memref<4x128x16xf32, #tpu.memory_space<vmem>> -> memref<1x128x16xf32, #tpu.memory_space<vmem>>
    %dma_start3A_30 = tpu.memref_squeeze %dma_start3A_29 : memref<1x128x16xf32, #tpu.memory_space<vmem>> -> memref<128x16xf32, #tpu.memory_space<vmem>>
    %dma_start3A_31 = arith.constant 0 : i32
    %dma_start3A_32 = tpu.memref_slice %arg5[%dma_start3A_25, %dma_start3A_31] : memref<200x128xi32, #tpu.memory_space<vmem>> -> memref<1x128xi32, #tpu.memory_space<vmem>>
    %dma_start3A_33 = tpu.memref_squeeze %dma_start3A_32 : memref<1x128xi32, #tpu.memory_space<vmem>> -> memref<128xi32, #tpu.memory_space<vmem>>
    %dma_start3A_34 = arith.constant 0 : i32
    %dma_start3A_35 = arith.constant 0 : i32
    %dma_start3A_36 = tpu.memref_slice %arg3[%dma_start3A_34, %dma_start3A_35] : memref<1015808x16xf32, #tpu.memory_space<hbm>> -> memref<1015808x16xf32, #tpu.memory_space<hbm>>
    tpu.enqueue_indirect_dma source(%dma_start3A_36 : memref<1015808x16xf32, #tpu.memory_space<hbm>>) target(%dma_start3A_30 : memref<128x16xf32, #tpu.memory_space<vmem>>) offsets(%dma_start3A_33 : memref<128xi32, #tpu.memory_space<vmem>>) semaphore(%arg9 : memref<!tpu.dma_semaphore, #tpu.memory_space<semaphore_mem>>)
    %dma_start3A_37 = arith.constant 2 : i32
    %dma_start3A_38 = arith.constant 2 : i32
    %dma_start3A_39 = arith.constant 0 : i32
    %dma_start3A_40 = arith.constant 0 : i32
    %dma_start3A_41 = tpu.memref_slice %arg6[%dma_start3A_38, %dma_start3A_39, %dma_start3A_40] : memref<4x128x16xf32, #tpu.memory_space<vmem>> -> memref<1x128x16xf32, #tpu.memory_space<vmem>>
    %dma_start3A_42 = tpu.memref_squeeze %dma_start3A_41 : memref<1x128x16xf32, #tpu.memory_space<vmem>> -> memref<128x16xf32, #tpu.memory_space<vmem>>
    %dma_start3A_43 = arith.constant 0 : i32
    %dma_start3A_44 = tpu.memref_slice %arg5[%dma_start3A_37, %dma_start3A_43] : memref<200x128xi32, #tpu.memory_space<vmem>> -> memref<1x128xi32, #tpu.memory_space<vmem>>
    %dma_start3A_45 = tpu.memref_squeeze %dma_start3A_44 : memref<1x128xi32, #tpu.memory_space<vmem>> -> memref<128xi32, #tpu.memory_space<vmem>>
    %dma_start3A_46 = arith.constant 0 : i32
    %dma_start3A_47 = arith.constant 0 : i32
    %dma_start3A_48 = tpu.memref_slice %arg3[%dma_start3A_46, %dma_start3A_47] : memref<1015808x16xf32, #tpu.memory_space<hbm>> -> memref<1015808x16xf32, #tpu.memory_space<hbm>>
    tpu.enqueue_indirect_dma source(%dma_start3A_48 : memref<1015808x16xf32, #tpu.memory_space<hbm>>) target(%dma_start3A_42 : memref<128x16xf32, #tpu.memory_space<vmem>>) offsets(%dma_start3A_45 : memref<128xi32, #tpu.memory_space<vmem>>) semaphore(%arg10 : memref<!tpu.dma_semaphore, #tpu.memory_space<semaphore_mem>>)
    %scan3A_49 = arith.constant 0 : i32
    %scan3A_50 = arith.constant 0 : i32
    %scan3A_51 = arith.constant 50 : i32
    %scan3A_52 = arith.addi %scan3A_50, %scan3A_51 : i32
    %scan3A_53 = arith.constant 1 : i32
    scf.for %scan3A_55 = %scan3A_50 to %scan3A_52 step %scan3A_53  : i32 {
      %mul3A_56 = arith.constant 4 : i32
      %mul3A_57 = arith.muli %scan3A_55, %mul3A_56 : i32
      %add3A_58 = arith.constant 0 : i32
      %add3A_59 = arith.addi %mul3A_57, %add3A_58 : i32
      %dma_wait3A = arith.constant 0 : i32
      %dma_wait3A_60 = arith.constant 0 : i32
      %dma_wait3A_61 = arith.constant 0 : i32
      %dma_wait3A_62 = tpu.memref_slice %arg6[%dma_wait3A, %dma_wait3A_60, %dma_wait3A_61] : memref<4x128x16xf32, #tpu.memory_space<vmem>> -> memref<1x128x16xf32, #tpu.memory_space<vmem>>
      %dma_wait3A_63 = tpu.memref_squeeze %dma_wait3A_62 : memref<1x128x16xf32, #tpu.memory_space<vmem>> -> memref<128x16xf32, #tpu.memory_space<vmem>>
      %dma_wait3A_64 = arith.constant 0 : i32
      %dma_wait3A_65 = arith.constant 0 : i32
      %dma_wait3A_66 = tpu.memref_slice %arg3[%dma_wait3A_64, %dma_wait3A_65] : memref<1015808x16xf32, #tpu.memory_space<hbm>> -> memref<128x16xf32, #tpu.memory_space<hbm>>
      %dma_wait3A_67 = arith.constant 0 : i32
      %dma_wait3A_68 = arith.constant 0 : i32
      %dma_wait3A_69 = tpu.memref_slice %arg6[%dma_wait3A, %dma_wait3A_67, %dma_wait3A_68] : memref<4x128x16xf32, #tpu.memory_space<vmem>> -> memref<1x128x16xf32, #tpu.memory_space<vmem>>
      %dma_wait3A_70 = tpu.memref_squeeze %dma_wait3A_69 : memref<1x128x16xf32, #tpu.memory_space<vmem>> -> memref<128x16xf32, #tpu.memory_space<vmem>>
      %dma_wait3A_71 = arith.constant 0 : i32
      %dma_wait3A_72 = arith.constant 0 : i32
      %dma_wait3A_73 = tpu.memref_slice %arg3[%dma_wait3A_71, %dma_wait3A_72] : memref<1015808x16xf32, #tpu.memory_space<hbm>> -> memref<128x16xf32, #tpu.memory_space<hbm>>
      tpu.wait_dma2 semaphore(%arg8 : memref<!tpu.dma_semaphore, #tpu.memory_space<semaphore_mem>>) src(%dma_wait3A_73 : memref<128x16xf32, #tpu.memory_space<hbm>>) dst(%dma_wait3A_70 : memref<128x16xf32, #tpu.memory_space<vmem>>)
      %add3A_74 = arith.constant 4 : i32
      %add3A_75 = arith.addi %add3A_59, %add3A_74 : i32
      %sub3A = arith.constant 1 : i32
      %sub3A_76 = arith.subi %add3A_75, %sub3A : i32
      %lt3A = arith.constant 200 : i32
      %lt3A_77 = arith.cmpi slt, %sub3A_76, %lt3A : i32
      %convert_element_type3A = arith.extui %lt3A_77 : i1 to i32
      %cond3A = arith.constant 0 : i32
      %cond3A_78 = arith.cmpi ne, %convert_element_type3A, %cond3A : i32
      scf.if %cond3A_78 {
        %add3A_187 = arith.constant 4 : i32
        %add3A_188 = arith.addi %add3A_59, %add3A_187 : i32
        %sub3A_189 = arith.constant 1 : i32
        %sub3A_190 = arith.subi %add3A_188, %sub3A_189 : i32
        %dma_start3A_191 = arith.constant 3 : i32
        %dma_start3A_192 = arith.constant 0 : i32
        %dma_start3A_193 = arith.constant 0 : i32
        %dma_start3A_194 = tpu.memref_slice %arg6[%dma_start3A_191, %dma_start3A_192, %dma_start3A_193] : memref<4x128x16xf32, #tpu.memory_space<vmem>> -> memref<1x128x16xf32, #tpu.memory_space<vmem>>
        %dma_start3A_195 = tpu.memref_squeeze %dma_start3A_194 : memref<1x128x16xf32, #tpu.memory_space<vmem>> -> memref<128x16xf32, #tpu.memory_space<vmem>>
        %dma_start3A_196 = arith.constant 0 : i32
        %dma_start3A_197 = tpu.memref_slice %arg5[%sub3A_190, %dma_start3A_196] : memref<200x128xi32, #tpu.memory_space<vmem>> -> memref<1x128xi32, #tpu.memory_space<vmem>>
        %dma_start3A_198 = tpu.memref_squeeze %dma_start3A_197 : memref<1x128xi32, #tpu.memory_space<vmem>> -> memref<128xi32, #tpu.memory_space<vmem>>
        %dma_start3A_199 = arith.constant 0 : i32
        %dma_start3A_200 = arith.constant 0 : i32
        %dma_start3A_201 = tpu.memref_slice %arg3[%dma_start3A_199, %dma_start3A_200] : memref<1015808x16xf32, #tpu.memory_space<hbm>> -> memref<1015808x16xf32, #tpu.memory_space<hbm>>
        tpu.enqueue_indirect_dma source(%dma_start3A_201 : memref<1015808x16xf32, #tpu.memory_space<hbm>>) target(%dma_start3A_195 : memref<128x16xf32, #tpu.memory_space<vmem>>) offsets(%dma_start3A_198 : memref<128xi32, #tpu.memory_space<vmem>>) semaphore(%arg11 : memref<!tpu.dma_semaphore, #tpu.memory_space<semaphore_mem>>)
      } else {
      }
      %scan3A_79 = arith.constant 0 : i32
      %scan3A_80 = arith.constant 0 : i32
      %scan3A_81 = arith.constant 128 : i32
      %scan3A_82 = arith.addi %scan3A_80, %scan3A_81 : i32
      %scan3A_83 = arith.constant 8 : i32
      scf.for %scan3A_187 = %scan3A_80 to %scan3A_82 step %scan3A_83  : i32 {
        %get3A = arith.constant 0 : i32
        %get3A_188 = arith.index_cast %get3A : i32 to index
        %get3A_189 = arith.index_cast %scan3A_187 : i32 to index
        %get3A_190 = arith.constant 0 : index
        %get3A_191 = tpu.vector_load %arg6[%get3A_188, %get3A_189, %get3A_190] {strides = array<i32>} : memref<4x128x16xf32, #tpu.memory_space<vmem>>, vector<1x1x16xf32>,
        %get3A_192 = vector.shape_cast %get3A_191 : vector<1x1x16xf32> to vector<16xf32>
        %swap3A = arith.index_cast %scan3A_187 : i32 to index
        %swap3A_193 = arith.constant 0 : index
        %swap3A_194 = tpu.vector_load %arg7[%swap3A, %swap3A_193] {strides = array<i32>} : memref<128x16xf32, #tpu.memory_space<vmem>>, vector<1x16xf32>,
        %swap3A_195 = vector.shape_cast %swap3A_194 : vector<1x16xf32> to vector<16xf32>
        %swap3A_196 = vector.shape_cast %get3A_192 : vector<16xf32> to vector<1x16xf32>
        tpu.vector_store %arg7[%swap3A, %swap3A_193], %swap3A_196 {add = true, strides = array<i32>} : memref<128x16xf32, #tpu.memory_space<vmem>>, vector<1x16xf32>,
        %scan3A_197 = arith.constant 1 : i32
        %scan3A_198 = arith.addi %scan3A_187, %scan3A_197 : i32
        %get3A_199 = arith.constant 0 : i32
        %get3A_200 = arith.index_cast %get3A_199 : i32 to index
        %get3A_201 = arith.index_cast %scan3A_198 : i32 to index
        %get3A_202 = arith.constant 0 : index
        %get3A_203 = tpu.vector_load %arg6[%get3A_200, %get3A_201, %get3A_202] {strides = array<i32>} : memref<4x128x16xf32, #tpu.memory_space<vmem>>, vector<1x1x16xf32>,
        %get3A_204 = vector.shape_cast %get3A_203 : vector<1x1x16xf32> to vector<16xf32>
        %swap3A_205 = arith.index_cast %scan3A_198 : i32 to index
        %swap3A_206 = arith.constant 0 : index
        %swap3A_207 = tpu.vector_load %arg7[%swap3A_205, %swap3A_206] {strides = array<i32>} : memref<128x16xf32, #tpu.memory_space<vmem>>, vector<1x16xf32>,
        %swap3A_208 = vector.shape_cast %swap3A_207 : vector<1x16xf32> to vector<16xf32>
        %swap3A_209 = vector.shape_cast %get3A_204 : vector<16xf32> to vector<1x16xf32>
        tpu.vector_store %arg7[%swap3A_205, %swap3A_206], %swap3A_209 {add = true, strides = array<i32>} : memref<128x16xf32, #tpu.memory_space<vmem>>, vector<1x16xf32>,
        %scan3A_210 = arith.constant 2 : i32
        %scan3A_211 = arith.addi %scan3A_187, %scan3A_210 : i32
        %get3A_212 = arith.constant 0 : i32
        %get3A_213 = arith.index_cast %get3A_212 : i32 to index
        %get3A_214 = arith.index_cast %scan3A_211 : i32 to index
        %get3A_215 = arith.constant 0 : index
        %get3A_216 = tpu.vector_load %arg6[%get3A_213, %get3A_214, %get3A_215] {strides = array<i32>} : memref<4x128x16xf32, #tpu.memory_space<vmem>>, vector<1x1x16xf32>,
        %get3A_217 = vector.shape_cast %get3A_216 : vector<1x1x16xf32> to vector<16xf32>
        %swap3A_218 = arith.index_cast %scan3A_211 : i32 to index
        %swap3A_219 = arith.constant 0 : index
        %swap3A_220 = tpu.vector_load %arg7[%swap3A_218, %swap3A_219] {strides = array<i32>} : memref<128x16xf32, #tpu.memory_space<vmem>>, vector<1x16xf32>,
        %swap3A_221 = vector.shape_cast %swap3A_220 : vector<1x16xf32> to vector<16xf32>
        %swap3A_222 = vector.shape_cast %get3A_217 : vector<16xf32> to vector<1x16xf32>
        tpu.vector_store %arg7[%swap3A_218, %swap3A_219], %swap3A_222 {add = true, strides = array<i32>} : memref<128x16xf32, #tpu.memory_space<vmem>>, vector<1x16xf32>,
        %scan3A_223 = arith.constant 3 : i32
        %scan3A_224 = arith.addi %scan3A_187, %scan3A_223 : i32
        %get3A_225 = arith.constant 0 : i32
        %get3A_226 = arith.index_cast %get3A_225 : i32 to index
        %get3A_227 = arith.index_cast %scan3A_224 : i32 to index
        %get3A_228 = arith.constant 0 : index
        %get3A_229 = tpu.vector_load %arg6[%get3A_226, %get3A_227, %get3A_228] {strides = array<i32>} : memref<4x128x16xf32, #tpu.memory_space<vmem>>, vector<1x1x16xf32>,
        %get3A_230 = vector.shape_cast %get3A_229 : vector<1x1x16xf32> to vector<16xf32>
        %swap3A_231 = arith.index_cast %scan3A_224 : i32 to index
        %swap3A_232 = arith.constant 0 : index
        %swap3A_233 = tpu.vector_load %arg7[%swap3A_231, %swap3A_232] {strides = array<i32>} : memref<128x16xf32, #tpu.memory_space<vmem>>, vector<1x16xf32>,
        %swap3A_234 = vector.shape_cast %swap3A_233 : vector<1x16xf32> to vector<16xf32>
        %swap3A_235 = vector.shape_cast %get3A_230 : vector<16xf32> to vector<1x16xf32>
        tpu.vector_store %arg7[%swap3A_231, %swap3A_232], %swap3A_235 {add = true, strides = array<i32>} : memref<128x16xf32, #tpu.memory_space<vmem>>, vector<1x16xf32>,
        %scan3A_236 = arith.constant 4 : i32
        %scan3A_237 = arith.addi %scan3A_187, %scan3A_236 : i32
        %get3A_238 = arith.constant 0 : i32
        %get3A_239 = arith.index_cast %get3A_238 : i32 to index
        %get3A_240 = arith.index_cast %scan3A_237 : i32 to index
        %get3A_241 = arith.constant 0 : index
        %get3A_242 = tpu.vector_load %arg6[%get3A_239, %get3A_240, %get3A_241] {strides = array<i32>} : memref<4x128x16xf32, #tpu.memory_space<vmem>>, vector<1x1x16xf32>,
        %get3A_243 = vector.shape_cast %get3A_242 : vector<1x1x16xf32> to vector<16xf32>
        %swap3A_244 = arith.index_cast %scan3A_237 : i32 to index
        %swap3A_245 = arith.constant 0 : index
        %swap3A_246 = tpu.vector_load %arg7[%swap3A_244, %swap3A_245] {strides = array<i32>} : memref<128x16xf32, #tpu.memory_space<vmem>>, vector<1x16xf32>,
        %swap3A_247 = vector.shape_cast %swap3A_246 : vector<1x16xf32> to vector<16xf32>
        %swap3A_248 = vector.shape_cast %get3A_243 : vector<16xf32> to vector<1x16xf32>
        tpu.vector_store %arg7[%swap3A_244, %swap3A_245], %swap3A_248 {add = true, strides = array<i32>} : memref<128x16xf32, #tpu.memory_space<vmem>>, vector<1x16xf32>,
        %scan3A_249 = arith.constant 5 : i32
        %scan3A_250 = arith.addi %scan3A_187, %scan3A_249 : i32
        %get3A_251 = arith.constant 0 : i32
        %get3A_252 = arith.index_cast %get3A_251 : i32 to index
        %get3A_253 = arith.index_cast %scan3A_250 : i32 to index
        %get3A_254 = arith.constant 0 : index
        %get3A_255 = tpu.vector_load %arg6[%get3A_252, %get3A_253, %get3A_254] {strides = array<i32>} : memref<4x128x16xf32, #tpu.memory_space<vmem>>, vector<1x1x16xf32>,
        %get3A_256 = vector.shape_cast %get3A_255 : vector<1x1x16xf32> to vector<16xf32>
        %swap3A_257 = arith.index_cast %scan3A_250 : i32 to index
        %swap3A_258 = arith.constant 0 : index
        %swap3A_259 = tpu.vector_load %arg7[%swap3A_257, %swap3A_258] {strides = array<i32>} : memref<128x16xf32, #tpu.memory_space<vmem>>, vector<1x16xf32>,
        %swap3A_260 = vector.shape_cast %swap3A_259 : vector<1x16xf32> to vector<16xf32>
        %swap3A_261 = vector.shape_cast %get3A_256 : vector<16xf32> to vector<1x16xf32>
        tpu.vector_store %arg7[%swap3A_257, %swap3A_258], %swap3A_261 {add = true, strides = array<i32>} : memref<128x16xf32, #tpu.memory_space<vmem>>, vector<1x16xf32>,
        %scan3A_262 = arith.constant 6 : i32
        %scan3A_263 = arith.addi %scan3A_187, %scan3A_262 : i32
        %get3A_264 = arith.constant 0 : i32
        %get3A_265 = arith.index_cast %get3A_264 : i32 to index
        %get3A_266 = arith.index_cast %scan3A_263 : i32 to index
        %get3A_267 = arith.constant 0 : index
        %get3A_268 = tpu.vector_load %arg6[%get3A_265, %get3A_266, %get3A_267] {strides = array<i32>} : memref<4x128x16xf32, #tpu.memory_space<vmem>>, vector<1x1x16xf32>,
        %get3A_269 = vector.shape_cast %get3A_268 : vector<1x1x16xf32> to vector<16xf32>
        %swap3A_270 = arith.index_cast %scan3A_263 : i32 to index
        %swap3A_271 = arith.constant 0 : index
        %swap3A_272 = tpu.vector_load %arg7[%swap3A_270, %swap3A_271] {strides = array<i32>} : memref<128x16xf32, #tpu.memory_space<vmem>>, vector<1x16xf32>,
        %swap3A_273 = vector.shape_cast %swap3A_272 : vector<1x16xf32> to vector<16xf32>
        %swap3A_274 = vector.shape_cast %get3A_269 : vector<16xf32> to vector<1x16xf32>
        tpu.vector_store %arg7[%swap3A_270, %swap3A_271], %swap3A_274 {add = true, strides = array<i32>} : memref<128x16xf32, #tpu.memory_space<vmem>>, vector<1x16xf32>,
        %scan3A_275 = arith.constant 7 : i32
        %scan3A_276 = arith.addi %scan3A_187, %scan3A_275 : i32
        %get3A_277 = arith.constant 0 : i32
        %get3A_278 = arith.index_cast %get3A_277 : i32 to index
        %get3A_279 = arith.index_cast %scan3A_276 : i32 to index
        %get3A_280 = arith.constant 0 : index
        %get3A_281 = tpu.vector_load %arg6[%get3A_278, %get3A_279, %get3A_280] {strides = array<i32>} : memref<4x128x16xf32, #tpu.memory_space<vmem>>, vector<1x1x16xf32>,
        %get3A_282 = vector.shape_cast %get3A_281 : vector<1x1x16xf32> to vector<16xf32>
        %swap3A_283 = arith.index_cast %scan3A_276 : i32 to index
        %swap3A_284 = arith.constant 0 : index
        %swap3A_285 = tpu.vector_load %arg7[%swap3A_283, %swap3A_284] {strides = array<i32>} : memref<128x16xf32, #tpu.memory_space<vmem>>, vector<1x16xf32>,
        %swap3A_286 = vector.shape_cast %swap3A_285 : vector<1x16xf32> to vector<16xf32>
        %swap3A_287 = vector.shape_cast %get3A_282 : vector<16xf32> to vector<1x16xf32>
        tpu.vector_store %arg7[%swap3A_283, %swap3A_284], %swap3A_287 {add = true, strides = array<i32>} : memref<128x16xf32, #tpu.memory_space<vmem>>, vector<1x16xf32>,
      }
      %scan3A_84 = arith.constant 128 : i32
      %mul3A_85 = arith.constant 4 : i32
      %mul3A_86 = arith.muli %scan3A_55, %mul3A_85 : i32
      %add3A_87 = arith.constant 1 : i32
      %add3A_88 = arith.addi %mul3A_86, %add3A_87 : i32
      %dma_wait3A_89 = arith.constant 1 : i32
      %dma_wait3A_90 = arith.constant 0 : i32
      %dma_wait3A_91 = arith.constant 0 : i32
      %dma_wait3A_92 = tpu.memref_slice %arg6[%dma_wait3A_89, %dma_wait3A_90, %dma_wait3A_91] : memref<4x128x16xf32, #tpu.memory_space<vmem>> -> memref<1x128x16xf32, #tpu.memory_space<vmem>>
      %dma_wait3A_93 = tpu.memref_squeeze %dma_wait3A_92 : memref<1x128x16xf32, #tpu.memory_space<vmem>> -> memref<128x16xf32, #tpu.memory_space<vmem>>
      %dma_wait3A_94 = arith.constant 0 : i32
      %dma_wait3A_95 = arith.constant 0 : i32
      %dma_wait3A_96 = tpu.memref_slice %arg3[%dma_wait3A_94, %dma_wait3A_95] : memref<1015808x16xf32, #tpu.memory_space<hbm>> -> memref<128x16xf32, #tpu.memory_space<hbm>>
      %dma_wait3A_97 = arith.constant 0 : i32
      %dma_wait3A_98 = arith.constant 0 : i32
      %dma_wait3A_99 = tpu.memref_slice %arg6[%dma_wait3A_89, %dma_wait3A_97, %dma_wait3A_98] : memref<4x128x16xf32, #tpu.memory_space<vmem>> -> memref<1x128x16xf32, #tpu.memory_space<vmem>>
      %dma_wait3A_100 = tpu.memref_squeeze %dma_wait3A_99 : memref<1x128x16xf32, #tpu.memory_space<vmem>> -> memref<128x16xf32, #tpu.memory_space<vmem>>
      %dma_wait3A_101 = arith.constant 0 : i32
      %dma_wait3A_102 = arith.constant 0 : i32
      %dma_wait3A_103 = tpu.memref_slice %arg3[%dma_wait3A_101, %dma_wait3A_102] : memref<1015808x16xf32, #tpu.memory_space<hbm>> -> memref<128x16xf32, #tpu.memory_space<hbm>>
      tpu.wait_dma2 semaphore(%arg9 : memref<!tpu.dma_semaphore, #tpu.memory_space<semaphore_mem>>) src(%dma_wait3A_103 : memref<128x16xf32, #tpu.memory_space<hbm>>) dst(%dma_wait3A_100 : memref<128x16xf32, #tpu.memory_space<vmem>>)
      %add3A_104 = arith.constant 4 : i32
      %add3A_105 = arith.addi %add3A_88, %add3A_104 : i32
      %sub3A_106 = arith.constant 1 : i32
      %sub3A_107 = arith.subi %add3A_105, %sub3A_106 : i32
      %lt3A_108 = arith.constant 200 : i32
      %lt3A_109 = arith.cmpi slt, %sub3A_107, %lt3A_108 : i32
      %convert_element_type3A_110 = arith.extui %lt3A_109 : i1 to i32
      %cond3A_111 = arith.constant 0 : i32
      %cond3A_112 = arith.cmpi ne, %convert_element_type3A_110, %cond3A_111 : i32
      scf.if %cond3A_112 {
        %add3A_187 = arith.constant 4 : i32
        %add3A_188 = arith.addi %add3A_88, %add3A_187 : i32
        %sub3A_189 = arith.constant 1 : i32
        %sub3A_190 = arith.subi %add3A_188, %sub3A_189 : i32
        %dma_start3A_191 = arith.constant 0 : i32
        %dma_start3A_192 = arith.constant 0 : i32
        %dma_start3A_193 = arith.constant 0 : i32
        %dma_start3A_194 = tpu.memref_slice %arg6[%dma_start3A_191, %dma_start3A_192, %dma_start3A_193] : memref<4x128x16xf32, #tpu.memory_space<vmem>> -> memref<1x128x16xf32, #tpu.memory_space<vmem>>
        %dma_start3A_195 = tpu.memref_squeeze %dma_start3A_194 : memref<1x128x16xf32, #tpu.memory_space<vmem>> -> memref<128x16xf32, #tpu.memory_space<vmem>>
        %dma_start3A_196 = arith.constant 0 : i32
        %dma_start3A_197 = tpu.memref_slice %arg5[%sub3A_190, %dma_start3A_196] : memref<200x128xi32, #tpu.memory_space<vmem>> -> memref<1x128xi32, #tpu.memory_space<vmem>>
        %dma_start3A_198 = tpu.memref_squeeze %dma_start3A_197 : memref<1x128xi32, #tpu.memory_space<vmem>> -> memref<128xi32, #tpu.memory_space<vmem>>
        %dma_start3A_199 = arith.constant 0 : i32
        %dma_start3A_200 = arith.constant 0 : i32
        %dma_start3A_201 = tpu.memref_slice %arg3[%dma_start3A_199, %dma_start3A_200] : memref<1015808x16xf32, #tpu.memory_space<hbm>> -> memref<1015808x16xf32, #tpu.memory_space<hbm>>
        tpu.enqueue_indirect_dma source(%dma_start3A_201 : memref<1015808x16xf32, #tpu.memory_space<hbm>>) target(%dma_start3A_195 : memref<128x16xf32, #tpu.memory_space<vmem>>) offsets(%dma_start3A_198 : memref<128xi32, #tpu.memory_space<vmem>>) semaphore(%arg8 : memref<!tpu.dma_semaphore, #tpu.memory_space<semaphore_mem>>)
      } else {
      }
      %scan3A_113 = arith.constant 0 : i32
      %scan3A_114 = arith.constant 0 : i32
      %scan3A_115 = arith.constant 128 : i32
      %scan3A_116 = arith.addi %scan3A_114, %scan3A_115 : i32
      %scan3A_117 = arith.constant 8 : i32
      scf.for %scan3A_187 = %scan3A_114 to %scan3A_116 step %scan3A_117  : i32 {
        %get3A = arith.constant 1 : i32
        %get3A_188 = arith.index_cast %get3A : i32 to index
        %get3A_189 = arith.index_cast %scan3A_187 : i32 to index
        %get3A_190 = arith.constant 0 : index
        %get3A_191 = tpu.vector_load %arg6[%get3A_188, %get3A_189, %get3A_190] {strides = array<i32>} : memref<4x128x16xf32, #tpu.memory_space<vmem>>, vector<1x1x16xf32>,
        %get3A_192 = vector.shape_cast %get3A_191 : vector<1x1x16xf32> to vector<16xf32>
        %swap3A = arith.index_cast %scan3A_187 : i32 to index
        %swap3A_193 = arith.constant 0 : index
        %swap3A_194 = tpu.vector_load %arg7[%swap3A, %swap3A_193] {strides = array<i32>} : memref<128x16xf32, #tpu.memory_space<vmem>>, vector<1x16xf32>,
        %swap3A_195 = vector.shape_cast %swap3A_194 : vector<1x16xf32> to vector<16xf32>
        %swap3A_196 = vector.shape_cast %get3A_192 : vector<16xf32> to vector<1x16xf32>
        tpu.vector_store %arg7[%swap3A, %swap3A_193], %swap3A_196 {add = true, strides = array<i32>} : memref<128x16xf32, #tpu.memory_space<vmem>>, vector<1x16xf32>,
        %scan3A_197 = arith.constant 1 : i32
        %scan3A_198 = arith.addi %scan3A_187, %scan3A_197 : i32
        %get3A_199 = arith.constant 1 : i32
        %get3A_200 = arith.index_cast %get3A_199 : i32 to index
        %get3A_201 = arith.index_cast %scan3A_198 : i32 to index
        %get3A_202 = arith.constant 0 : index
        %get3A_203 = tpu.vector_load %arg6[%get3A_200, %get3A_201, %get3A_202] {strides = array<i32>} : memref<4x128x16xf32, #tpu.memory_space<vmem>>, vector<1x1x16xf32>,
        %get3A_204 = vector.shape_cast %get3A_203 : vector<1x1x16xf32> to vector<16xf32>
        %swap3A_205 = arith.index_cast %scan3A_198 : i32 to index
        %swap3A_206 = arith.constant 0 : index
        %swap3A_207 = tpu.vector_load %arg7[%swap3A_205, %swap3A_206] {strides = array<i32>} : memref<128x16xf32, #tpu.memory_space<vmem>>, vector<1x16xf32>,
        %swap3A_208 = vector.shape_cast %swap3A_207 : vector<1x16xf32> to vector<16xf32>
        %swap3A_209 = vector.shape_cast %get3A_204 : vector<16xf32> to vector<1x16xf32>
        tpu.vector_store %arg7[%swap3A_205, %swap3A_206], %swap3A_209 {add = true, strides = array<i32>} : memref<128x16xf32, #tpu.memory_space<vmem>>, vector<1x16xf32>,
        %scan3A_210 = arith.constant 2 : i32
        %scan3A_211 = arith.addi %scan3A_187, %scan3A_210 : i32
        %get3A_212 = arith.constant 1 : i32
        %get3A_213 = arith.index_cast %get3A_212 : i32 to index
        %get3A_214 = arith.index_cast %scan3A_211 : i32 to index
        %get3A_215 = arith.constant 0 : index
        %get3A_216 = tpu.vector_load %arg6[%get3A_213, %get3A_214, %get3A_215] {strides = array<i32>} : memref<4x128x16xf32, #tpu.memory_space<vmem>>, vector<1x1x16xf32>,
        %get3A_217 = vector.shape_cast %get3A_216 : vector<1x1x16xf32> to vector<16xf32>
        %swap3A_218 = arith.index_cast %scan3A_211 : i32 to index
        %swap3A_219 = arith.constant 0 : index
        %swap3A_220 = tpu.vector_load %arg7[%swap3A_218, %swap3A_219] {strides = array<i32>} : memref<128x16xf32, #tpu.memory_space<vmem>>, vector<1x16xf32>,
        %swap3A_221 = vector.shape_cast %swap3A_220 : vector<1x16xf32> to vector<16xf32>
        %swap3A_222 = vector.shape_cast %get3A_217 : vector<16xf32> to vector<1x16xf32>
        tpu.vector_store %arg7[%swap3A_218, %swap3A_219], %swap3A_222 {add = true, strides = array<i32>} : memref<128x16xf32, #tpu.memory_space<vmem>>, vector<1x16xf32>,
        %scan3A_223 = arith.constant 3 : i32
        %scan3A_224 = arith.addi %scan3A_187, %scan3A_223 : i32
        %get3A_225 = arith.constant 1 : i32
        %get3A_226 = arith.index_cast %get3A_225 : i32 to index
        %get3A_227 = arith.index_cast %scan3A_224 : i32 to index
        %get3A_228 = arith.constant 0 : index
        %get3A_229 = tpu.vector_load %arg6[%get3A_226, %get3A_227, %get3A_228] {strides = array<i32>} : memref<4x128x16xf32, #tpu.memory_space<vmem>>, vector<1x1x16xf32>,
        %get3A_230 = vector.shape_cast %get3A_229 : vector<1x1x16xf32> to vector<16xf32>
        %swap3A_231 = arith.index_cast %scan3A_224 : i32 to index
        %swap3A_232 = arith.constant 0 : index
        %swap3A_233 = tpu.vector_load %arg7[%swap3A_231, %swap3A_232] {strides = array<i32>} : memref<128x16xf32, #tpu.memory_space<vmem>>, vector<1x16xf32>,
        %swap3A_234 = vector.shape_cast %swap3A_233 : vector<1x16xf32> to vector<16xf32>
        %swap3A_235 = vector.shape_cast %get3A_230 : vector<16xf32> to vector<1x16xf32>
        tpu.vector_store %arg7[%swap3A_231, %swap3A_232], %swap3A_235 {add = true, strides = array<i32>} : memref<128x16xf32, #tpu.memory_space<vmem>>, vector<1x16xf32>,
        %scan3A_236 = arith.constant 4 : i32
        %scan3A_237 = arith.addi %scan3A_187, %scan3A_236 : i32
        %get3A_238 = arith.constant 1 : i32
        %get3A_239 = arith.index_cast %get3A_238 : i32 to index
        %get3A_240 = arith.index_cast %scan3A_237 : i32 to index
        %get3A_241 = arith.constant 0 : index
        %get3A_242 = tpu.vector_load %arg6[%get3A_239, %get3A_240, %get3A_241] {strides = array<i32>} : memref<4x128x16xf32, #tpu.memory_space<vmem>>, vector<1x1x16xf32>,
        %get3A_243 = vector.shape_cast %get3A_242 : vector<1x1x16xf32> to vector<16xf32>
        %swap3A_244 = arith.index_cast %scan3A_237 : i32 to index
        %swap3A_245 = arith.constant 0 : index
        %swap3A_246 = tpu.vector_load %arg7[%swap3A_244, %swap3A_245] {strides = array<i32>} : memref<128x16xf32, #tpu.memory_space<vmem>>, vector<1x16xf32>,
        %swap3A_247 = vector.shape_cast %swap3A_246 : vector<1x16xf32> to vector<16xf32>
        %swap3A_248 = vector.shape_cast %get3A_243 : vector<16xf32> to vector<1x16xf32>
        tpu.vector_store %arg7[%swap3A_244, %swap3A_245], %swap3A_248 {add = true, strides = array<i32>} : memref<128x16xf32, #tpu.memory_space<vmem>>, vector<1x16xf32>,
        %scan3A_249 = arith.constant 5 : i32
        %scan3A_250 = arith.addi %scan3A_187, %scan3A_249 : i32
        %get3A_251 = arith.constant 1 : i32
        %get3A_252 = arith.index_cast %get3A_251 : i32 to index
        %get3A_253 = arith.index_cast %scan3A_250 : i32 to index
        %get3A_254 = arith.constant 0 : index
        %get3A_255 = tpu.vector_load %arg6[%get3A_252, %get3A_253, %get3A_254] {strides = array<i32>} : memref<4x128x16xf32, #tpu.memory_space<vmem>>, vector<1x1x16xf32>,
        %get3A_256 = vector.shape_cast %get3A_255 : vector<1x1x16xf32> to vector<16xf32>
        %swap3A_257 = arith.index_cast %scan3A_250 : i32 to index
        %swap3A_258 = arith.constant 0 : index
        %swap3A_259 = tpu.vector_load %arg7[%swap3A_257, %swap3A_258] {strides = array<i32>} : memref<128x16xf32, #tpu.memory_space<vmem>>, vector<1x16xf32>,
        %swap3A_260 = vector.shape_cast %swap3A_259 : vector<1x16xf32> to vector<16xf32>
        %swap3A_261 = vector.shape_cast %get3A_256 : vector<16xf32> to vector<1x16xf32>
        tpu.vector_store %arg7[%swap3A_257, %swap3A_258], %swap3A_261 {add = true, strides = array<i32>} : memref<128x16xf32, #tpu.memory_space<vmem>>, vector<1x16xf32>,
        %scan3A_262 = arith.constant 6 : i32
        %scan3A_263 = arith.addi %scan3A_187, %scan3A_262 : i32
        %get3A_264 = arith.constant 1 : i32
        %get3A_265 = arith.index_cast %get3A_264 : i32 to index
        %get3A_266 = arith.index_cast %scan3A_263 : i32 to index
        %get3A_267 = arith.constant 0 : index
        %get3A_268 = tpu.vector_load %arg6[%get3A_265, %get3A_266, %get3A_267] {strides = array<i32>} : memref<4x128x16xf32, #tpu.memory_space<vmem>>, vector<1x1x16xf32>,
        %get3A_269 = vector.shape_cast %get3A_268 : vector<1x1x16xf32> to vector<16xf32>
        %swap3A_270 = arith.index_cast %scan3A_263 : i32 to index
        %swap3A_271 = arith.constant 0 : index
        %swap3A_272 = tpu.vector_load %arg7[%swap3A_270, %swap3A_271] {strides = array<i32>} : memref<128x16xf32, #tpu.memory_space<vmem>>, vector<1x16xf32>,
        %swap3A_273 = vector.shape_cast %swap3A_272 : vector<1x16xf32> to vector<16xf32>
        %swap3A_274 = vector.shape_cast %get3A_269 : vector<16xf32> to vector<1x16xf32>
        tpu.vector_store %arg7[%swap3A_270, %swap3A_271], %swap3A_274 {add = true, strides = array<i32>} : memref<128x16xf32, #tpu.memory_space<vmem>>, vector<1x16xf32>,
        %scan3A_275 = arith.constant 7 : i32
        %scan3A_276 = arith.addi %scan3A_187, %scan3A_275 : i32
        %get3A_277 = arith.constant 1 : i32
        %get3A_278 = arith.index_cast %get3A_277 : i32 to index
        %get3A_279 = arith.index_cast %scan3A_276 : i32 to index
        %get3A_280 = arith.constant 0 : index
        %get3A_281 = tpu.vector_load %arg6[%get3A_278, %get3A_279, %get3A_280] {strides = array<i32>} : memref<4x128x16xf32, #tpu.memory_space<vmem>>, vector<1x1x16xf32>,
        %get3A_282 = vector.shape_cast %get3A_281 : vector<1x1x16xf32> to vector<16xf32>
        %swap3A_283 = arith.index_cast %scan3A_276 : i32 to index
        %swap3A_284 = arith.constant 0 : index
        %swap3A_285 = tpu.vector_load %arg7[%swap3A_283, %swap3A_284] {strides = array<i32>} : memref<128x16xf32, #tpu.memory_space<vmem>>, vector<1x16xf32>,
        %swap3A_286 = vector.shape_cast %swap3A_285 : vector<1x16xf32> to vector<16xf32>
        %swap3A_287 = vector.shape_cast %get3A_282 : vector<16xf32> to vector<1x16xf32>
        tpu.vector_store %arg7[%swap3A_283, %swap3A_284], %swap3A_287 {add = true, strides = array<i32>} : memref<128x16xf32, #tpu.memory_space<vmem>>, vector<1x16xf32>,
      }
      %scan3A_118 = arith.constant 128 : i32
      %mul3A_119 = arith.constant 4 : i32
      %mul3A_120 = arith.muli %scan3A_55, %mul3A_119 : i32
      %add3A_121 = arith.constant 2 : i32
      %add3A_122 = arith.addi %mul3A_120, %add3A_121 : i32
      %dma_wait3A_123 = arith.constant 2 : i32
      %dma_wait3A_124 = arith.constant 0 : i32
      %dma_wait3A_125 = arith.constant 0 : i32
      %dma_wait3A_126 = tpu.memref_slice %arg6[%dma_wait3A_123, %dma_wait3A_124, %dma_wait3A_125] : memref<4x128x16xf32, #tpu.memory_space<vmem>> -> memref<1x128x16xf32, #tpu.memory_space<vmem>>
      %dma_wait3A_127 = tpu.memref_squeeze %dma_wait3A_126 : memref<1x128x16xf32, #tpu.memory_space<vmem>> -> memref<128x16xf32, #tpu.memory_space<vmem>>
      %dma_wait3A_128 = arith.constant 0 : i32
      %dma_wait3A_129 = arith.constant 0 : i32
      %dma_wait3A_130 = tpu.memref_slice %arg3[%dma_wait3A_128, %dma_wait3A_129] : memref<1015808x16xf32, #tpu.memory_space<hbm>> -> memref<128x16xf32, #tpu.memory_space<hbm>>
      %dma_wait3A_131 = arith.constant 0 : i32
      %dma_wait3A_132 = arith.constant 0 : i32
      %dma_wait3A_133 = tpu.memref_slice %arg6[%dma_wait3A_123, %dma_wait3A_131, %dma_wait3A_132] : memref<4x128x16xf32, #tpu.memory_space<vmem>> -> memref<1x128x16xf32, #tpu.memory_space<vmem>>
      %dma_wait3A_134 = tpu.memref_squeeze %dma_wait3A_133 : memref<1x128x16xf32, #tpu.memory_space<vmem>> -> memref<128x16xf32, #tpu.memory_space<vmem>>
      %dma_wait3A_135 = arith.constant 0 : i32
      %dma_wait3A_136 = arith.constant 0 : i32
      %dma_wait3A_137 = tpu.memref_slice %arg3[%dma_wait3A_135, %dma_wait3A_136] : memref<1015808x16xf32, #tpu.memory_space<hbm>> -> memref<128x16xf32, #tpu.memory_space<hbm>>
      tpu.wait_dma2 semaphore(%arg10 : memref<!tpu.dma_semaphore, #tpu.memory_space<semaphore_mem>>) src(%dma_wait3A_137 : memref<128x16xf32, #tpu.memory_space<hbm>>) dst(%dma_wait3A_134 : memref<128x16xf32, #tpu.memory_space<vmem>>)
      %add3A_138 = arith.constant 4 : i32
      %add3A_139 = arith.addi %add3A_122, %add3A_138 : i32
      %sub3A_140 = arith.constant 1 : i32
      %sub3A_141 = arith.subi %add3A_139, %sub3A_140 : i32
      %lt3A_142 = arith.constant 200 : i32
      %lt3A_143 = arith.cmpi slt, %sub3A_141, %lt3A_142 : i32
      %convert_element_type3A_144 = arith.extui %lt3A_143 : i1 to i32
      %cond3A_145 = arith.constant 0 : i32
      %cond3A_146 = arith.cmpi ne, %convert_element_type3A_144, %cond3A_145 : i32
      scf.if %cond3A_146 {
        %add3A_187 = arith.constant 4 : i32
        %add3A_188 = arith.addi %add3A_122, %add3A_187 : i32
        %sub3A_189 = arith.constant 1 : i32
        %sub3A_190 = arith.subi %add3A_188, %sub3A_189 : i32
        %dma_start3A_191 = arith.constant 1 : i32
        %dma_start3A_192 = arith.constant 0 : i32
        %dma_start3A_193 = arith.constant 0 : i32
        %dma_start3A_194 = tpu.memref_slice %arg6[%dma_start3A_191, %dma_start3A_192, %dma_start3A_193] : memref<4x128x16xf32, #tpu.memory_space<vmem>> -> memref<1x128x16xf32, #tpu.memory_space<vmem>>
        %dma_start3A_195 = tpu.memref_squeeze %dma_start3A_194 : memref<1x128x16xf32, #tpu.memory_space<vmem>> -> memref<128x16xf32, #tpu.memory_space<vmem>>
        %dma_start3A_196 = arith.constant 0 : i32
        %dma_start3A_197 = tpu.memref_slice %arg5[%sub3A_190, %dma_start3A_196] : memref<200x128xi32, #tpu.memory_space<vmem>> -> memref<1x128xi32, #tpu.memory_space<vmem>>
        %dma_start3A_198 = tpu.memref_squeeze %dma_start3A_197 : memref<1x128xi32, #tpu.memory_space<vmem>> -> memref<128xi32, #tpu.memory_space<vmem>>
        %dma_start3A_199 = arith.constant 0 : i32
        %dma_start3A_200 = arith.constant 0 : i32
        %dma_start3A_201 = tpu.memref_slice %arg3[%dma_start3A_199, %dma_start3A_200] : memref<1015808x16xf32, #tpu.memory_space<hbm>> -> memref<1015808x16xf32, #tpu.memory_space<hbm>>
        tpu.enqueue_indirect_dma source(%dma_start3A_201 : memref<1015808x16xf32, #tpu.memory_space<hbm>>) target(%dma_start3A_195 : memref<128x16xf32, #tpu.memory_space<vmem>>) offsets(%dma_start3A_198 : memref<128xi32, #tpu.memory_space<vmem>>) semaphore(%arg9 : memref<!tpu.dma_semaphore, #tpu.memory_space<semaphore_mem>>)
      } else {
      }
      %scan3A_147 = arith.constant 0 : i32
      %scan3A_148 = arith.constant 0 : i32
      %scan3A_149 = arith.constant 128 : i32
      %scan3A_150 = arith.addi %scan3A_148, %scan3A_149 : i32
      %scan3A_151 = arith.constant 8 : i32
      scf.for %scan3A_187 = %scan3A_148 to %scan3A_150 step %scan3A_151  : i32 {
        %get3A = arith.constant 2 : i32
        %get3A_188 = arith.index_cast %get3A : i32 to index
        %get3A_189 = arith.index_cast %scan3A_187 : i32 to index
        %get3A_190 = arith.constant 0 : index
        %get3A_191 = tpu.vector_load %arg6[%get3A_188, %get3A_189, %get3A_190] {strides = array<i32>} : memref<4x128x16xf32, #tpu.memory_space<vmem>>, vector<1x1x16xf32>,
        %get3A_192 = vector.shape_cast %get3A_191 : vector<1x1x16xf32> to vector<16xf32>
        %swap3A = arith.index_cast %scan3A_187 : i32 to index
        %swap3A_193 = arith.constant 0 : index
        %swap3A_194 = tpu.vector_load %arg7[%swap3A, %swap3A_193] {strides = array<i32>} : memref<128x16xf32, #tpu.memory_space<vmem>>, vector<1x16xf32>,
        %swap3A_195 = vector.shape_cast %swap3A_194 : vector<1x16xf32> to vector<16xf32>
        %swap3A_196 = vector.shape_cast %get3A_192 : vector<16xf32> to vector<1x16xf32>
        tpu.vector_store %arg7[%swap3A, %swap3A_193], %swap3A_196 {add = true, strides = array<i32>} : memref<128x16xf32, #tpu.memory_space<vmem>>, vector<1x16xf32>,
        %scan3A_197 = arith.constant 1 : i32
        %scan3A_198 = arith.addi %scan3A_187, %scan3A_197 : i32
        %get3A_199 = arith.constant 2 : i32
        %get3A_200 = arith.index_cast %get3A_199 : i32 to index
        %get3A_201 = arith.index_cast %scan3A_198 : i32 to index
        %get3A_202 = arith.constant 0 : index
        %get3A_203 = tpu.vector_load %arg6[%get3A_200, %get3A_201, %get3A_202] {strides = array<i32>} : memref<4x128x16xf32, #tpu.memory_space<vmem>>, vector<1x1x16xf32>,
        %get3A_204 = vector.shape_cast %get3A_203 : vector<1x1x16xf32> to vector<16xf32>
        %swap3A_205 = arith.index_cast %scan3A_198 : i32 to index
        %swap3A_206 = arith.constant 0 : index
        %swap3A_207 = tpu.vector_load %arg7[%swap3A_205, %swap3A_206] {strides = array<i32>} : memref<128x16xf32, #tpu.memory_space<vmem>>, vector<1x16xf32>,
        %swap3A_208 = vector.shape_cast %swap3A_207 : vector<1x16xf32> to vector<16xf32>
        %swap3A_209 = vector.shape_cast %get3A_204 : vector<16xf32> to vector<1x16xf32>
        tpu.vector_store %arg7[%swap3A_205, %swap3A_206], %swap3A_209 {add = true, strides = array<i32>} : memref<128x16xf32, #tpu.memory_space<vmem>>, vector<1x16xf32>,
        %scan3A_210 = arith.constant 2 : i32
        %scan3A_211 = arith.addi %scan3A_187, %scan3A_210 : i32
        %get3A_212 = arith.constant 2 : i32
        %get3A_213 = arith.index_cast %get3A_212 : i32 to index
        %get3A_214 = arith.index_cast %scan3A_211 : i32 to index
        %get3A_215 = arith.constant 0 : index
        %get3A_216 = tpu.vector_load %arg6[%get3A_213, %get3A_214, %get3A_215] {strides = array<i32>} : memref<4x128x16xf32, #tpu.memory_space<vmem>>, vector<1x1x16xf32>,
        %get3A_217 = vector.shape_cast %get3A_216 : vector<1x1x16xf32> to vector<16xf32>
        %swap3A_218 = arith.index_cast %scan3A_211 : i32 to index
        %swap3A_219 = arith.constant 0 : index
        %swap3A_220 = tpu.vector_load %arg7[%swap3A_218, %swap3A_219] {strides = array<i32>} : memref<128x16xf32, #tpu.memory_space<vmem>>, vector<1x16xf32>,
        %swap3A_221 = vector.shape_cast %swap3A_220 : vector<1x16xf32> to vector<16xf32>
        %swap3A_222 = vector.shape_cast %get3A_217 : vector<16xf32> to vector<1x16xf32>
        tpu.vector_store %arg7[%swap3A_218, %swap3A_219], %swap3A_222 {add = true, strides = array<i32>} : memref<128x16xf32, #tpu.memory_space<vmem>>, vector<1x16xf32>,
        %scan3A_223 = arith.constant 3 : i32
        %scan3A_224 = arith.addi %scan3A_187, %scan3A_223 : i32
        %get3A_225 = arith.constant 2 : i32
        %get3A_226 = arith.index_cast %get3A_225 : i32 to index
        %get3A_227 = arith.index_cast %scan3A_224 : i32 to index
        %get3A_228 = arith.constant 0 : index
        %get3A_229 = tpu.vector_load %arg6[%get3A_226, %get3A_227, %get3A_228] {strides = array<i32>} : memref<4x128x16xf32, #tpu.memory_space<vmem>>, vector<1x1x16xf32>,
        %get3A_230 = vector.shape_cast %get3A_229 : vector<1x1x16xf32> to vector<16xf32>
        %swap3A_231 = arith.index_cast %scan3A_224 : i32 to index
        %swap3A_232 = arith.constant 0 : index
        %swap3A_233 = tpu.vector_load %arg7[%swap3A_231, %swap3A_232] {strides = array<i32>} : memref<128x16xf32, #tpu.memory_space<vmem>>, vector<1x16xf32>,
        %swap3A_234 = vector.shape_cast %swap3A_233 : vector<1x16xf32> to vector<16xf32>
        %swap3A_235 = vector.shape_cast %get3A_230 : vector<16xf32> to vector<1x16xf32>
        tpu.vector_store %arg7[%swap3A_231, %swap3A_232], %swap3A_235 {add = true, strides = array<i32>} : memref<128x16xf32, #tpu.memory_space<vmem>>, vector<1x16xf32>,
        %scan3A_236 = arith.constant 4 : i32
        %scan3A_237 = arith.addi %scan3A_187, %scan3A_236 : i32
        %get3A_238 = arith.constant 2 : i32
        %get3A_239 = arith.index_cast %get3A_238 : i32 to index
        %get3A_240 = arith.index_cast %scan3A_237 : i32 to index
        %get3A_241 = arith.constant 0 : index
        %get3A_242 = tpu.vector_load %arg6[%get3A_239, %get3A_240, %get3A_241] {strides = array<i32>} : memref<4x128x16xf32, #tpu.memory_space<vmem>>, vector<1x1x16xf32>,
        %get3A_243 = vector.shape_cast %get3A_242 : vector<1x1x16xf32> to vector<16xf32>
        %swap3A_244 = arith.index_cast %scan3A_237 : i32 to index
        %swap3A_245 = arith.constant 0 : index
        %swap3A_246 = tpu.vector_load %arg7[%swap3A_244, %swap3A_245] {strides = array<i32>} : memref<128x16xf32, #tpu.memory_space<vmem>>, vector<1x16xf32>,
        %swap3A_247 = vector.shape_cast %swap3A_246 : vector<1x16xf32> to vector<16xf32>
        %swap3A_248 = vector.shape_cast %get3A_243 : vector<16xf32> to vector<1x16xf32>
        tpu.vector_store %arg7[%swap3A_244, %swap3A_245], %swap3A_248 {add = true, strides = array<i32>} : memref<128x16xf32, #tpu.memory_space<vmem>>, vector<1x16xf32>,
        %scan3A_249 = arith.constant 5 : i32
        %scan3A_250 = arith.addi %scan3A_187, %scan3A_249 : i32
        %get3A_251 = arith.constant 2 : i32
        %get3A_252 = arith.index_cast %get3A_251 : i32 to index
        %get3A_253 = arith.index_cast %scan3A_250 : i32 to index
        %get3A_254 = arith.constant 0 : index
        %get3A_255 = tpu.vector_load %arg6[%get3A_252, %get3A_253, %get3A_254] {strides = array<i32>} : memref<4x128x16xf32, #tpu.memory_space<vmem>>, vector<1x1x16xf32>,
        %get3A_256 = vector.shape_cast %get3A_255 : vector<1x1x16xf32> to vector<16xf32>
        %swap3A_257 = arith.index_cast %scan3A_250 : i32 to index
        %swap3A_258 = arith.constant 0 : index
        %swap3A_259 = tpu.vector_load %arg7[%swap3A_257, %swap3A_258] {strides = array<i32>} : memref<128x16xf32, #tpu.memory_space<vmem>>, vector<1x16xf32>,
        %swap3A_260 = vector.shape_cast %swap3A_259 : vector<1x16xf32> to vector<16xf32>
        %swap3A_261 = vector.shape_cast %get3A_256 : vector<16xf32> to vector<1x16xf32>
        tpu.vector_store %arg7[%swap3A_257, %swap3A_258], %swap3A_261 {add = true, strides = array<i32>} : memref<128x16xf32, #tpu.memory_space<vmem>>, vector<1x16xf32>,
        %scan3A_262 = arith.constant 6 : i32
        %scan3A_263 = arith.addi %scan3A_187, %scan3A_262 : i32
        %get3A_264 = arith.constant 2 : i32
        %get3A_265 = arith.index_cast %get3A_264 : i32 to index
        %get3A_266 = arith.index_cast %scan3A_263 : i32 to index
        %get3A_267 = arith.constant 0 : index
        %get3A_268 = tpu.vector_load %arg6[%get3A_265, %get3A_266, %get3A_267] {strides = array<i32>} : memref<4x128x16xf32, #tpu.memory_space<vmem>>, vector<1x1x16xf32>,
        %get3A_269 = vector.shape_cast %get3A_268 : vector<1x1x16xf32> to vector<16xf32>
        %swap3A_270 = arith.index_cast %scan3A_263 : i32 to index
        %swap3A_271 = arith.constant 0 : index
        %swap3A_272 = tpu.vector_load %arg7[%swap3A_270, %swap3A_271] {strides = array<i32>} : memref<128x16xf32, #tpu.memory_space<vmem>>, vector<1x16xf32>,
        %swap3A_273 = vector.shape_cast %swap3A_272 : vector<1x16xf32> to vector<16xf32>
        %swap3A_274 = vector.shape_cast %get3A_269 : vector<16xf32> to vector<1x16xf32>
        tpu.vector_store %arg7[%swap3A_270, %swap3A_271], %swap3A_274 {add = true, strides = array<i32>} : memref<128x16xf32, #tpu.memory_space<vmem>>, vector<1x16xf32>,
        %scan3A_275 = arith.constant 7 : i32
        %scan3A_276 = arith.addi %scan3A_187, %scan3A_275 : i32
        %get3A_277 = arith.constant 2 : i32
        %get3A_278 = arith.index_cast %get3A_277 : i32 to index
        %get3A_279 = arith.index_cast %scan3A_276 : i32 to index
        %get3A_280 = arith.constant 0 : index
        %get3A_281 = tpu.vector_load %arg6[%get3A_278, %get3A_279, %get3A_280] {strides = array<i32>} : memref<4x128x16xf32, #tpu.memory_space<vmem>>, vector<1x1x16xf32>,
        %get3A_282 = vector.shape_cast %get3A_281 : vector<1x1x16xf32> to vector<16xf32>
        %swap3A_283 = arith.index_cast %scan3A_276 : i32 to index
        %swap3A_284 = arith.constant 0 : index
        %swap3A_285 = tpu.vector_load %arg7[%swap3A_283, %swap3A_284] {strides = array<i32>} : memref<128x16xf32, #tpu.memory_space<vmem>>, vector<1x16xf32>,
        %swap3A_286 = vector.shape_cast %swap3A_285 : vector<1x16xf32> to vector<16xf32>
        %swap3A_287 = vector.shape_cast %get3A_282 : vector<16xf32> to vector<1x16xf32>
        tpu.vector_store %arg7[%swap3A_283, %swap3A_284], %swap3A_287 {add = true, strides = array<i32>} : memref<128x16xf32, #tpu.memory_space<vmem>>, vector<1x16xf32>,
      }
      %scan3A_152 = arith.constant 128 : i32
      %mul3A_153 = arith.constant 4 : i32
      %mul3A_154 = arith.muli %scan3A_55, %mul3A_153 : i32
      %add3A_155 = arith.constant 3 : i32
      %add3A_156 = arith.addi %mul3A_154, %add3A_155 : i32
      %dma_wait3A_157 = arith.constant 3 : i32
      %dma_wait3A_158 = arith.constant 0 : i32
      %dma_wait3A_159 = arith.constant 0 : i32
      %dma_wait3A_160 = tpu.memref_slice %arg6[%dma_wait3A_157, %dma_wait3A_158, %dma_wait3A_159] : memref<4x128x16xf32, #tpu.memory_space<vmem>> -> memref<1x128x16xf32, #tpu.memory_space<vmem>>
      %dma_wait3A_161 = tpu.memref_squeeze %dma_wait3A_160 : memref<1x128x16xf32, #tpu.memory_space<vmem>> -> memref<128x16xf32, #tpu.memory_space<vmem>>
      %dma_wait3A_162 = arith.constant 0 : i32
      %dma_wait3A_163 = arith.constant 0 : i32
      %dma_wait3A_164 = tpu.memref_slice %arg3[%dma_wait3A_162, %dma_wait3A_163] : memref<1015808x16xf32, #tpu.memory_space<hbm>> -> memref<128x16xf32, #tpu.memory_space<hbm>>
      %dma_wait3A_165 = arith.constant 0 : i32
      %dma_wait3A_166 = arith.constant 0 : i32
      %dma_wait3A_167 = tpu.memref_slice %arg6[%dma_wait3A_157, %dma_wait3A_165, %dma_wait3A_166] : memref<4x128x16xf32, #tpu.memory_space<vmem>> -> memref<1x128x16xf32, #tpu.memory_space<vmem>>
      %dma_wait3A_168 = tpu.memref_squeeze %dma_wait3A_167 : memref<1x128x16xf32, #tpu.memory_space<vmem>> -> memref<128x16xf32, #tpu.memory_space<vmem>>
      %dma_wait3A_169 = arith.constant 0 : i32
      %dma_wait3A_170 = arith.constant 0 : i32
      %dma_wait3A_171 = tpu.memref_slice %arg3[%dma_wait3A_169, %dma_wait3A_170] : memref<1015808x16xf32, #tpu.memory_space<hbm>> -> memref<128x16xf32, #tpu.memory_space<hbm>>
      tpu.wait_dma2 semaphore(%arg11 : memref<!tpu.dma_semaphore, #tpu.memory_space<semaphore_mem>>) src(%dma_wait3A_171 : memref<128x16xf32, #tpu.memory_space<hbm>>) dst(%dma_wait3A_168 : memref<128x16xf32, #tpu.memory_space<vmem>>)
      %add3A_172 = arith.constant 4 : i32
      %add3A_173 = arith.addi %add3A_156, %add3A_172 : i32
      %sub3A_174 = arith.constant 1 : i32
      %sub3A_175 = arith.subi %add3A_173, %sub3A_174 : i32
      %lt3A_176 = arith.constant 200 : i32
      %lt3A_177 = arith.cmpi slt, %sub3A_175, %lt3A_176 : i32
      %convert_element_type3A_178 = arith.extui %lt3A_177 : i1 to i32
      %cond3A_179 = arith.constant 0 : i32
      %cond3A_180 = arith.cmpi ne, %convert_element_type3A_178, %cond3A_179 : i32
      scf.if %cond3A_180 {
        %add3A_187 = arith.constant 4 : i32
        %add3A_188 = arith.addi %add3A_156, %add3A_187 : i32
        %sub3A_189 = arith.constant 1 : i32
        %sub3A_190 = arith.subi %add3A_188, %sub3A_189 : i32
        %dma_start3A_191 = arith.constant 2 : i32
        %dma_start3A_192 = arith.constant 0 : i32
        %dma_start3A_193 = arith.constant 0 : i32
        %dma_start3A_194 = tpu.memref_slice %arg6[%dma_start3A_191, %dma_start3A_192, %dma_start3A_193] : memref<4x128x16xf32, #tpu.memory_space<vmem>> -> memref<1x128x16xf32, #tpu.memory_space<vmem>>
        %dma_start3A_195 = tpu.memref_squeeze %dma_start3A_194 : memref<1x128x16xf32, #tpu.memory_space<vmem>> -> memref<128x16xf32, #tpu.memory_space<vmem>>
        %dma_start3A_196 = arith.constant 0 : i32
        %dma_start3A_197 = tpu.memref_slice %arg5[%sub3A_190, %dma_start3A_196] : memref<200x128xi32, #tpu.memory_space<vmem>> -> memref<1x128xi32, #tpu.memory_space<vmem>>
        %dma_start3A_198 = tpu.memref_squeeze %dma_start3A_197 : memref<1x128xi32, #tpu.memory_space<vmem>> -> memref<128xi32, #tpu.memory_space<vmem>>
        %dma_start3A_199 = arith.constant 0 : i32
        %dma_start3A_200 = arith.constant 0 : i32
        %dma_start3A_201 = tpu.memref_slice %arg3[%dma_start3A_199, %dma_start3A_200] : memref<1015808x16xf32, #tpu.memory_space<hbm>> -> memref<1015808x16xf32, #tpu.memory_space<hbm>>
        tpu.enqueue_indirect_dma source(%dma_start3A_201 : memref<1015808x16xf32, #tpu.memory_space<hbm>>) target(%dma_start3A_195 : memref<128x16xf32, #tpu.memory_space<vmem>>) offsets(%dma_start3A_198 : memref<128xi32, #tpu.memory_space<vmem>>) semaphore(%arg10 : memref<!tpu.dma_semaphore, #tpu.memory_space<semaphore_mem>>)
      } else {
      }
      %scan3A_181 = arith.constant 0 : i32
      %scan3A_182 = arith.constant 0 : i32
      %scan3A_183 = arith.constant 128 : i32
      %scan3A_184 = arith.addi %scan3A_182, %scan3A_183 : i32
      %scan3A_185 = arith.constant 8 : i32
      scf.for %scan3A_187 = %scan3A_182 to %scan3A_184 step %scan3A_185  : i32 {
        %get3A = arith.constant 3 : i32
        %get3A_188 = arith.index_cast %get3A : i32 to index
        %get3A_189 = arith.index_cast %scan3A_187 : i32 to index
        %get3A_190 = arith.constant 0 : index
        %get3A_191 = tpu.vector_load %arg6[%get3A_188, %get3A_189, %get3A_190] {strides = array<i32>} : memref<4x128x16xf32, #tpu.memory_space<vmem>>, vector<1x1x16xf32>,
        %get3A_192 = vector.shape_cast %get3A_191 : vector<1x1x16xf32> to vector<16xf32>
        %swap3A = arith.index_cast %scan3A_187 : i32 to index
        %swap3A_193 = arith.constant 0 : index
        %swap3A_194 = tpu.vector_load %arg7[%swap3A, %swap3A_193] {strides = array<i32>} : memref<128x16xf32, #tpu.memory_space<vmem>>, vector<1x16xf32>,
        %swap3A_195 = vector.shape_cast %swap3A_194 : vector<1x16xf32> to vector<16xf32>
        %swap3A_196 = vector.shape_cast %get3A_192 : vector<16xf32> to vector<1x16xf32>
        tpu.vector_store %arg7[%swap3A, %swap3A_193], %swap3A_196 {add = true, strides = array<i32>} : memref<128x16xf32, #tpu.memory_space<vmem>>, vector<1x16xf32>,
        %scan3A_197 = arith.constant 1 : i32
        %scan3A_198 = arith.addi %scan3A_187, %scan3A_197 : i32
        %get3A_199 = arith.constant 3 : i32
        %get3A_200 = arith.index_cast %get3A_199 : i32 to index
        %get3A_201 = arith.index_cast %scan3A_198 : i32 to index
        %get3A_202 = arith.constant 0 : index
        %get3A_203 = tpu.vector_load %arg6[%get3A_200, %get3A_201, %get3A_202] {strides = array<i32>} : memref<4x128x16xf32, #tpu.memory_space<vmem>>, vector<1x1x16xf32>,
        %get3A_204 = vector.shape_cast %get3A_203 : vector<1x1x16xf32> to vector<16xf32>
        %swap3A_205 = arith.index_cast %scan3A_198 : i32 to index
        %swap3A_206 = arith.constant 0 : index
        %swap3A_207 = tpu.vector_load %arg7[%swap3A_205, %swap3A_206] {strides = array<i32>} : memref<128x16xf32, #tpu.memory_space<vmem>>, vector<1x16xf32>,
        %swap3A_208 = vector.shape_cast %swap3A_207 : vector<1x16xf32> to vector<16xf32>
        %swap3A_209 = vector.shape_cast %get3A_204 : vector<16xf32> to vector<1x16xf32>
        tpu.vector_store %arg7[%swap3A_205, %swap3A_206], %swap3A_209 {add = true, strides = array<i32>} : memref<128x16xf32, #tpu.memory_space<vmem>>, vector<1x16xf32>,
        %scan3A_210 = arith.constant 2 : i32
        %scan3A_211 = arith.addi %scan3A_187, %scan3A_210 : i32
        %get3A_212 = arith.constant 3 : i32
        %get3A_213 = arith.index_cast %get3A_212 : i32 to index
        %get3A_214 = arith.index_cast %scan3A_211 : i32 to index
        %get3A_215 = arith.constant 0 : index
        %get3A_216 = tpu.vector_load %arg6[%get3A_213, %get3A_214, %get3A_215] {strides = array<i32>} : memref<4x128x16xf32, #tpu.memory_space<vmem>>, vector<1x1x16xf32>,
        %get3A_217 = vector.shape_cast %get3A_216 : vector<1x1x16xf32> to vector<16xf32>
        %swap3A_218 = arith.index_cast %scan3A_211 : i32 to index
        %swap3A_219 = arith.constant 0 : index
        %swap3A_220 = tpu.vector_load %arg7[%swap3A_218, %swap3A_219] {strides = array<i32>} : memref<128x16xf32, #tpu.memory_space<vmem>>, vector<1x16xf32>,
        %swap3A_221 = vector.shape_cast %swap3A_220 : vector<1x16xf32> to vector<16xf32>
        %swap3A_222 = vector.shape_cast %get3A_217 : vector<16xf32> to vector<1x16xf32>
        tpu.vector_store %arg7[%swap3A_218, %swap3A_219], %swap3A_222 {add = true, strides = array<i32>} : memref<128x16xf32, #tpu.memory_space<vmem>>, vector<1x16xf32>,
        %scan3A_223 = arith.constant 3 : i32
        %scan3A_224 = arith.addi %scan3A_187, %scan3A_223 : i32
        %get3A_225 = arith.constant 3 : i32
        %get3A_226 = arith.index_cast %get3A_225 : i32 to index
        %get3A_227 = arith.index_cast %scan3A_224 : i32 to index
        %get3A_228 = arith.constant 0 : index
        %get3A_229 = tpu.vector_load %arg6[%get3A_226, %get3A_227, %get3A_228] {strides = array<i32>} : memref<4x128x16xf32, #tpu.memory_space<vmem>>, vector<1x1x16xf32>,
        %get3A_230 = vector.shape_cast %get3A_229 : vector<1x1x16xf32> to vector<16xf32>
        %swap3A_231 = arith.index_cast %scan3A_224 : i32 to index
        %swap3A_232 = arith.constant 0 : index
        %swap3A_233 = tpu.vector_load %arg7[%swap3A_231, %swap3A_232] {strides = array<i32>} : memref<128x16xf32, #tpu.memory_space<vmem>>, vector<1x16xf32>,
        %swap3A_234 = vector.shape_cast %swap3A_233 : vector<1x16xf32> to vector<16xf32>
        %swap3A_235 = vector.shape_cast %get3A_230 : vector<16xf32> to vector<1x16xf32>
        tpu.vector_store %arg7[%swap3A_231, %swap3A_232], %swap3A_235 {add = true, strides = array<i32>} : memref<128x16xf32, #tpu.memory_space<vmem>>, vector<1x16xf32>,
        %scan3A_236 = arith.constant 4 : i32
        %scan3A_237 = arith.addi %scan3A_187, %scan3A_236 : i32
        %get3A_238 = arith.constant 3 : i32
        %get3A_239 = arith.index_cast %get3A_238 : i32 to index
        %get3A_240 = arith.index_cast %scan3A_237 : i32 to index
        %get3A_241 = arith.constant 0 : index
        %get3A_242 = tpu.vector_load %arg6[%get3A_239, %get3A_240, %get3A_241] {strides = array<i32>} : memref<4x128x16xf32, #tpu.memory_space<vmem>>, vector<1x1x16xf32>,
        %get3A_243 = vector.shape_cast %get3A_242 : vector<1x1x16xf32> to vector<16xf32>
        %swap3A_244 = arith.index_cast %scan3A_237 : i32 to index
        %swap3A_245 = arith.constant 0 : index
        %swap3A_246 = tpu.vector_load %arg7[%swap3A_244, %swap3A_245] {strides = array<i32>} : memref<128x16xf32, #tpu.memory_space<vmem>>, vector<1x16xf32>,
        %swap3A_247 = vector.shape_cast %swap3A_246 : vector<1x16xf32> to vector<16xf32>
        %swap3A_248 = vector.shape_cast %get3A_243 : vector<16xf32> to vector<1x16xf32>
        tpu.vector_store %arg7[%swap3A_244, %swap3A_245], %swap3A_248 {add = true, strides = array<i32>} : memref<128x16xf32, #tpu.memory_space<vmem>>, vector<1x16xf32>,
        %scan3A_249 = arith.constant 5 : i32
        %scan3A_250 = arith.addi %scan3A_187, %scan3A_249 : i32
        %get3A_251 = arith.constant 3 : i32
        %get3A_252 = arith.index_cast %get3A_251 : i32 to index
        %get3A_253 = arith.index_cast %scan3A_250 : i32 to index
        %get3A_254 = arith.constant 0 : index
        %get3A_255 = tpu.vector_load %arg6[%get3A_252, %get3A_253, %get3A_254] {strides = array<i32>} : memref<4x128x16xf32, #tpu.memory_space<vmem>>, vector<1x1x16xf32>,
        %get3A_256 = vector.shape_cast %get3A_255 : vector<1x1x16xf32> to vector<16xf32>
        %swap3A_257 = arith.index_cast %scan3A_250 : i32 to index
        %swap3A_258 = arith.constant 0 : index
        %swap3A_259 = tpu.vector_load %arg7[%swap3A_257, %swap3A_258] {strides = array<i32>} : memref<128x16xf32, #tpu.memory_space<vmem>>, vector<1x16xf32>,
        %swap3A_260 = vector.shape_cast %swap3A_259 : vector<1x16xf32> to vector<16xf32>
        %swap3A_261 = vector.shape_cast %get3A_256 : vector<16xf32> to vector<1x16xf32>
        tpu.vector_store %arg7[%swap3A_257, %swap3A_258], %swap3A_261 {add = true, strides = array<i32>} : memref<128x16xf32, #tpu.memory_space<vmem>>, vector<1x16xf32>,
        %scan3A_262 = arith.constant 6 : i32
        %scan3A_263 = arith.addi %scan3A_187, %scan3A_262 : i32
        %get3A_264 = arith.constant 3 : i32
        %get3A_265 = arith.index_cast %get3A_264 : i32 to index
        %get3A_266 = arith.index_cast %scan3A_263 : i32 to index
        %get3A_267 = arith.constant 0 : index
        %get3A_268 = tpu.vector_load %arg6[%get3A_265, %get3A_266, %get3A_267] {strides = array<i32>} : memref<4x128x16xf32, #tpu.memory_space<vmem>>, vector<1x1x16xf32>,
        %get3A_269 = vector.shape_cast %get3A_268 : vector<1x1x16xf32> to vector<16xf32>
        %swap3A_270 = arith.index_cast %scan3A_263 : i32 to index
        %swap3A_271 = arith.constant 0 : index
        %swap3A_272 = tpu.vector_load %arg7[%swap3A_270, %swap3A_271] {strides = array<i32>} : memref<128x16xf32, #tpu.memory_space<vmem>>, vector<1x16xf32>,
        %swap3A_273 = vector.shape_cast %swap3A_272 : vector<1x16xf32> to vector<16xf32>
        %swap3A_274 = vector.shape_cast %get3A_269 : vector<16xf32> to vector<1x16xf32>
        tpu.vector_store %arg7[%swap3A_270, %swap3A_271], %swap3A_274 {add = true, strides = array<i32>} : memref<128x16xf32, #tpu.memory_space<vmem>>, vector<1x16xf32>,
        %scan3A_275 = arith.constant 7 : i32
        %scan3A_276 = arith.addi %scan3A_187, %scan3A_275 : i32
        %get3A_277 = arith.constant 3 : i32
        %get3A_278 = arith.index_cast %get3A_277 : i32 to index
        %get3A_279 = arith.index_cast %scan3A_276 : i32 to index
        %get3A_280 = arith.constant 0 : index
        %get3A_281 = tpu.vector_load %arg6[%get3A_278, %get3A_279, %get3A_280] {strides = array<i32>} : memref<4x128x16xf32, #tpu.memory_space<vmem>>, vector<1x1x16xf32>,
        %get3A_282 = vector.shape_cast %get3A_281 : vector<1x1x16xf32> to vector<16xf32>
        %swap3A_283 = arith.index_cast %scan3A_276 : i32 to index
        %swap3A_284 = arith.constant 0 : index
        %swap3A_285 = tpu.vector_load %arg7[%swap3A_283, %swap3A_284] {strides = array<i32>} : memref<128x16xf32, #tpu.memory_space<vmem>>, vector<1x16xf32>,
        %swap3A_286 = vector.shape_cast %swap3A_285 : vector<1x16xf32> to vector<16xf32>
        %swap3A_287 = vector.shape_cast %get3A_282 : vector<16xf32> to vector<1x16xf32>
        tpu.vector_store %arg7[%swap3A_283, %swap3A_284], %swap3A_287 {add = true, strides = array<i32>} : memref<128x16xf32, #tpu.memory_space<vmem>>, vector<1x16xf32>,
      }
      %scan3A_186 = arith.constant 128 : i32
    }
    %scan3A_54 = arith.constant 50 : i32
    "tpu.region"() ({
      %run_scoped3A = tpu.sem_alloc : memref<!tpu.dma_semaphore, #tpu.memory_space<semaphore_mem>>
      %dma_start3A_55 = arith.constant 0 : i32
      %dma_start3A_56 = tpu.memref_slice %arg4[%mul3A_2, %dma_start3A_55] : memref<4096x16xf32, #tpu.memory_space<hbm>> -> memref<128x16xf32, #tpu.memory_space<hbm>>
      %dma_start3A_57 = arith.constant 0 : i32
      %dma_start3A_58 = tpu.memref_slice %arg4[%mul3A_2, %dma_start3A_57] : memref<4096x16xf32, #tpu.memory_space<hbm>> -> memref<128x16xf32, #tpu.memory_space<hbm>>
      tpu.enqueue_dma source(%arg7 : memref<128x16xf32, #tpu.memory_space<vmem>>) target(%dma_start3A_58 : memref<128x16xf32, #tpu.memory_space<hbm>>) target_semaphore(%run_scoped3A : memref<!tpu.dma_semaphore, #tpu.memory_space<semaphore_mem>>)
      %dma_wait3A = arith.constant 0 : i32
      %dma_wait3A_59 = tpu.memref_slice %arg4[%mul3A_2, %dma_wait3A] : memref<4096x16xf32, #tpu.memory_space<hbm>> -> memref<128x16xf32, #tpu.memory_space<hbm>>
      %dma_wait3A_60 = arith.constant 0 : i32
      %dma_wait3A_61 = tpu.memref_slice %arg4[%mul3A_2, %dma_wait3A_60] : memref<4096x16xf32, #tpu.memory_space<hbm>> -> memref<128x16xf32, #tpu.memory_space<hbm>>
      tpu.wait_dma2 semaphore(%run_scoped3A : memref<!tpu.dma_semaphore, #tpu.memory_space<semaphore_mem>>) src(%arg7 : memref<128x16xf32, #tpu.memory_space<vmem>>) dst(%dma_wait3A_61 : memref<128x16xf32, #tpu.memory_space<hbm>>)
      tpu.yield
    }) : () -> ()
    return
  }
}

module attributes {stable_mosaic.version = 14 : i64} {
  func.func @_tc_proj(%arg0: i32, %arg1: memref<16x64xf32, #tpu.memory_space<vmem>>, %arg2: memref<64x32768xf32, #tpu.memory_space<vmem>>, %arg3: memref<4096x128xf32, #tpu.memory_space<vmem>>) attributes {dimension_semantics = [#tpu.dimension_semantics<arbitrary>], iteration_bounds = array<i64: 31>, scalar_prefetch = 0 : i64, scratch_operands = 0 : i64, tpu.core_type = #tpu.core_type<tc>, window_params = [{pipeline_mode = #tpu.pipeline_mode<synchronous>, transform_indices = @transform_0, window_bounds = array<i64: 16, 64>}, {transform_indices = @transform_1, window_bounds = array<i64: 64, 32768>}, {transform_indices = @transform_2, window_bounds = array<i64: 4096, 128>}]} {
    %get3A = arith.constant 0 : index
    %get3A_0 = arith.constant 0 : index
    %get3A_1 = vector.load %arg1[%get3A, %get3A_0] : memref<16x64xf32, #tpu.memory_space<vmem>>, vector<16x64xf32>
    %get3A_2 = arith.constant 0 : index
    %get3A_3 = arith.constant 0 : index
    %get3A_4 = vector.load %arg2[%get3A_2, %get3A_3] : memref<64x32768xf32, #tpu.memory_space<vmem>>, vector<64x32768xf32>
    %dot_general3A = arith.constant dense<0.000000e+00> : vector<16x32768xf32>
    %dot_general3A_5 = tpu.matmul %get3A_1, %get3A_4, %dot_general3A {dimension_numbers = #tpu.dot_dimension_numbers<[1], [0], [0], [1], [0, 0, 1, 1], [], []>, transpose_lhs_hint = false} : vector<16x64xf32>, vector<64x32768xf32>, vector<16x32768xf32> -> vector<16x32768xf32>
    %slice3A = vector.extract_strided_slice %dot_general3A_5 {offsets = [0, 0], sizes = [16, 4096], strides = [1, 1]} : vector<16x32768xf32> to vector<16x4096xf32>
    %slice3A_6 = vector.extract_strided_slice %dot_general3A_5 {offsets = [0, 4096], sizes = [16, 4096], strides = [1, 1]} : vector<16x32768xf32> to vector<16x4096xf32>
    %slice3A_7 = vector.extract_strided_slice %dot_general3A_5 {offsets = [0, 8192], sizes = [16, 4096], strides = [1, 1]} : vector<16x32768xf32> to vector<16x4096xf32>
    %slice3A_8 = vector.extract_strided_slice %dot_general3A_5 {offsets = [0, 12288], sizes = [16, 4096], strides = [1, 1]} : vector<16x32768xf32> to vector<16x4096xf32>
    %slice3A_9 = vector.extract_strided_slice %dot_general3A_5 {offsets = [0, 16384], sizes = [16, 4096], strides = [1, 1]} : vector<16x32768xf32> to vector<16x4096xf32>
    %slice3A_10 = vector.extract_strided_slice %dot_general3A_5 {offsets = [0, 20480], sizes = [16, 4096], strides = [1, 1]} : vector<16x32768xf32> to vector<16x4096xf32>
    %slice3A_11 = vector.extract_strided_slice %dot_general3A_5 {offsets = [0, 24576], sizes = [16, 4096], strides = [1, 1]} : vector<16x32768xf32> to vector<16x4096xf32>
    %slice3A_12 = vector.extract_strided_slice %dot_general3A_5 {offsets = [0, 28672], sizes = [16, 4096], strides = [1, 1]} : vector<16x32768xf32> to vector<16x4096xf32>
    %concatenate3A = tpu.concatenate %slice3A, %slice3A_6, %slice3A_7, %slice3A_8, %slice3A_9, %slice3A_10, %slice3A_11, %slice3A_12 in 0 : vector<16x4096xf32>, vector<16x4096xf32>, vector<16x4096xf32>, vector<16x4096xf32>, vector<16x4096xf32>, vector<16x4096xf32>, vector<16x4096xf32>, vector<16x4096xf32> -> vector<128x4096xf32>
    %transpose3A = tpu.transpose %concatenate3A, [1, 0] : vector<128x4096xf32> -> vector<4096x128xf32>
    %swap3A = arith.constant 0 : index
    %swap3A_13 = arith.constant 0 : index
    %swap3A_14 = vector.load %arg3[%swap3A, %swap3A_13] : memref<4096x128xf32, #tpu.memory_space<vmem>>, vector<4096x128xf32>
    tpu.vector_store %arg3[%swap3A, %swap3A_13], %transpose3A {strides = array<i32>} : memref<4096x128xf32, #tpu.memory_space<vmem>>, vector<4096x128xf32>,
    return
  }
  func.func @transform_0(%arg0: i32) -> (i32, i32) {
    %c0_i32 = arith.constant 0 : i32
    %c0_i32_0 = arith.constant 0 : i32
    %c0_i32_1 = arith.constant 0 : i32
    return %c0_i32, %c0_i32_0 : i32, i32
  }
  func.func @transform_1(%arg0: i32) -> (i32, i32) {
    %c0_i32 = arith.constant 0 : i32
    %c0_i32_0 = arith.constant 0 : i32
    return %c0_i32, %arg0 : i32, i32
  }
  func.func @transform_2(%arg0: i32) -> (i32, i32) {
    %c0_i32 = arith.constant 0 : i32
    %c0_i32_0 = arith.constant 0 : i32
    return %arg0, %c0_i32 : i32, i32
  }
}

module attributes {stable_mosaic.version = 14 : i64} {
  func.func @_tc_head(%arg0: memref<4096x16xf32, #tpu.memory_space<vmem>>, %arg1: memref<1x10xf32, #tpu.memory_space<vmem>>, %arg2: memref<4096x10xf32, #tpu.memory_space<vmem>>) attributes {dimension_semantics = [], scalar_prefetch = 0 : i64, scratch_operands = 0 : i64, tpu.core_type = #tpu.core_type<tc>} {
    %get3A = arith.constant 0 : index
    %get3A_0 = arith.constant 0 : index
    %get3A_1 = vector.load %arg0[%get3A, %get3A_0] : memref<4096x16xf32, #tpu.memory_space<vmem>>, vector<4096x16xf32>
    %slice3A = vector.extract_strided_slice %get3A_1 {offsets = [0, 0], sizes = [4096, 10], strides = [1, 1]} : vector<4096x16xf32> to vector<4096x10xf32>
    %mul3A = arith.constant 5.000000e-03 : f32
    %mul3A_2 = vector.broadcast %mul3A : f32 to vector<4096x10xf32>
    %mul3A_3 = arith.mulf %slice3A, %mul3A_2 : vector<4096x10xf32>
    %get3A_4 = arith.constant 0 : index
    %get3A_5 = arith.constant 0 : index
    %get3A_6 = vector.load %arg1[%get3A_4, %get3A_5] : memref<1x10xf32, #tpu.memory_space<vmem>>, vector<1x10xf32>
    %add3A = vector.broadcast %get3A_6 : vector<1x10xf32> to vector<4096x10xf32>
    %add3A_7 = arith.addf %mul3A_3, %add3A : vector<4096x10xf32>
    %swap3A = arith.constant 0 : index
    %swap3A_8 = arith.constant 0 : index
    %swap3A_9 = vector.load %arg2[%swap3A, %swap3A_8] : memref<4096x10xf32, #tpu.memory_space<vmem>>, vector<4096x10xf32>
    tpu.vector_store %arg2[%swap3A, %swap3A_8], %add3A_7 {strides = array<i32>} : memref<4096x10xf32, #tpu.memory_space<vmem>>, vector<4096x10xf32>,
    return
  }
}

</mosaic_0001>

<sc_bundles>
// kernel: kernel.5.cloned.1.call-start
scs
__scs_entry_jumppad:
0x0: {  	(pc) =	sbr.rel $0x88, $3  }
0x1: {  	(tag) =	ssettag $0x0;
	lr =	simm.s32 $0x1  }
0x2: {  	[smem:$0x3F9D] =	sst lr;
	_ =	strace $0xD0000000  }
0x3: {  	_ = 	snop  }
0x4: {  	_ = 	snop  }
0x5: {  	_ = 	snop  }
0x6: {  	_ = 	snop  }
0x7: {  	_ = 	snop  }
__scs_overlays_trampoline_lowered:
0x8: {  	[smem:$0x3FAC] =	sst s0  }
0x9: {  	[smem:$0x3FAD] =	sst s1  }
0xa: {  	[smem:$0x3FAE] =	sst s2  }
0xb: {  	[smem:$0x3FAF] =	sst s3  }
0xc: {  	[smem:$0x3FB0] =	sst s4  }
0xd: {  	[smem:$0x3FB1] =	sst s5  }
0xe: {  	[smem:$0x3FB2] =	sst s6  }
0xf: {  	[smem:$0x3FB3] =	sst s7  }
0x10: {  	[smem:$0x3FB4] =	sst s8  }
0x11: {  	[smem:$0x3FB5] =	sst s9;
	s0 =	simm.s32 @!p0 $0x0  }
0x12: {  	s1 =	sld [smem:$0x3F9B];
	s0 =	simm.s32 @p0 $0x1  }
0x13: {  	[smem:$0x3FB6] =	sst s0;
	s0 =	simm.s32 @!p1 $0x0  }
0x14: {  	s2 =	sld [smem:$0x3F9A];
	s0 =	simm.s32 @p1 $0x1  }
0x15: {  	[smem:$0x3FB7] =	sst s0;
	s0 =	simm.s32 @!p2 $0x0  }
0x16: {  	s3 =	sld [smem:$0x3FDB];
	s0 =	simm.s32 @p2 $0x1  }
0x17: {  	s4 =	simm.s32 $0x1BF5;
	[smem:$0x3FB9] =	sst s0  }
0x18: {  	s0 =	sld [smem:$0x3F9C];
	_ =	swait.ge [sflag:s4], $0x0  }
0x19: {  	s7 =	sld [smem:$0x3F9D]  }
0x1a: {  	s8 =	sadd.s32 $0xFFFFE003, lr  }
0x1b: {  	s9 =	sadd.s32 $0xFFFFFEF7, lr;
	s5 =	simm.s32 $0xFFFFFFFF;
	p2 =	slt.u32 s8, $0xFFFFF086  }
0x1c: {  	p1 =	slt.u32 s9, $0xF7A;
	s5 =	simm.s32 @!p2 $0x0  }
0x1d: {  	s5 =	simm.s32 @p1 $0x1;
	p0 =	seq.s32 s7, s2  }
0x1e: {  	s7 =	smul.u32 @!p0 $0xF7A, s2;
	p2 =	seq.s32 @!p0 s5, $0x0  }
0x1f: {  	s9 =	smul.u32 $0xF7A, s1;
	s8 =	simm.s32 @!p0 $0x1BF5;
	p2 =	por !p2, p0  }
0x20: {  	[sflag:s8] =	ssyncset.s32 @!p0 $0xFFFFF086;
	s6 =	sadd.s32 @!p0 s3, s7;
	s7 =	simm.s32 @!p0 $0x108  }
0x21: {  	s3 =	sadd.s32 s3, s9;
	s6 =	sadd.s32 @!p0 $0x88, s6;
	s7 =	simm.s32 @p2 $0x1082  }
0x22: {  	[simem:s7], [sflag:s8] =	dma.local @!p0 [hbm:s6], $0xF7A  }
0x23: {  	s9 =	sor.u32 $0xD0000000, s2;
	s6 =	simm.s32 $0x108;
	_ =	swait.ge @!p0 [sflag:s8], $0x0  }
0x24: {  	s3 =	sadd.s32 $0x88, s3;
	s6 =	simm.s32 @!p1 $0x1082;
	[sflag:s4] =	ssyncset.s32 $0xFFFFF086  }
0x25: {  	[simem:s6], [sflag:s4] =	dma.local [hbm:s3], $0xF7A  }
0x26: {  	[smem:$0x3F9D] =	sst s1;
	(tag) =	ssettag s2;
	_ =	strace s9  }
0x27: {  	s1 =	sld [smem:$0x3FAD]  }
0x28: {  	s2 =	sld [smem:$0x3FAE]  }
0x29: {  	s4 =	sld [smem:$0x3FB0]  }
0x2a: {  	p0 =	seq.s32 s5, $0x0;
	s5 =	sld [smem:$0x3FB1]  }
0x2b: {  	s6 =	sld [smem:$0x3FB2]  }
0x2c: {  	s7 =	sld [smem:$0x3FB3]  }
0x2d: {  	s3 =	simm.s32 $0x108;
	s8 =	sld [smem:$0x3FB4]  }
0x2e: {  	s3 =	simm.s32 @!p0 $0x1082;
	s9 =	sld [smem:$0x3FB5]  }
0x2f: {  	lr =	sadd.s32 s0, s3;
	s0 =	sld [smem:$0x3FAC]  }
0x30: {  	s3 =	sld [smem:$0x3FAF]  }
0x31: {  	[smem:$0x3FB8] =	sst s10  }
0x32: {  	s10 =	sld [smem:$0x3FB6];
	_ =	sdelay $0x3  }
0x33: {  	p0 =	seq.s32 s10, $0x1;
	s10 =	sld [smem:$0x3FB8];
	_ =	sdelay $0x3  }
0x34: {  	[smem:$0x3FB8] =	sst s10  }
0x35: {  	s10 =	sld [smem:$0x3FB7];
	_ =	sdelay $0x3  }
0x36: {  	p1 =	seq.s32 s10, $0x1;
	s10 =	sld [smem:$0x3FB8];
	_ =	sdelay $0x3  }
0x37: {  	[smem:$0x3FB8] =	sst s10  }
0x38: {  	s10 =	sld [smem:$0x3FB9]  }
0x39: {  	_ = 	snop;
	(pc) =	sbr.ind lr, $3  }
0x3a: {  	_ = 	snop  }
0x3b: {  	_ = 	snop  }
0x3c: {  	p2 =	seq.s32 s10, $0x1;
	s10 =	sld [smem:$0x3FB8]  }
0x3d: {  	_ =	shalt  }
0x3e: {  	_ =	shalt  }
0x3f: {  	_ =	shalt  }
0x40: {  	_ =	shalt  }
0x41: {  	_ =	shalt  }
0x42: {  	_ =	shalt  }
0x43: {  	_ =	shalt  }
0x44: {  	_ =	shalt  }
0x45: {  	_ =	shalt  }
0x46: {  	_ =	shalt  }
0x47: {  	_ =	shalt  }
0x48: {  	_ =	shalt  }
0x49: {  	_ =	shalt  }
0x4a: {  	_ =	shalt  }
0x4b: {  	_ =	shalt  }
0x4c: {  	_ =	shalt  }
0x4d: {  	_ =	shalt  }
0x4e: {  	_ =	shalt  }
0x4f: {  	_ =	shalt  }
0x50: {  	_ =	shalt  }
0x51: {  	_ =	shalt  }
0x52: {  	_ =	shalt  }
0x53: {  	_ =	shalt  }
0x54: {  	_ =	shalt  }
0x55: {  	_ =	shalt  }
0x56: {  	_ =	shalt  }
0x57: {  	_ =	shalt  }
0x58: {  	_ =	shalt  }
0x59: {  	_ =	shalt  }
0x5a: {  	_ =	shalt  }
0x5b: {  	_ =	shalt  }
0x5c: {  	_ =	shalt  }
0x5d: {  	_ =	shalt  }
0x5e: {  	_ =	shalt  }
0x5f: {  	_ =	shalt  }
0x60: {  	_ =	shalt  }
0x61: {  	_ =	shalt  }
0x62: {  	_ =	shalt  }
0x63: {  	_ =	shalt  }
0x64: {  	_ =	shalt  }
0x65: {  	_ =	shalt  }
0x66: {  	_ =	shalt  }
0x67: {  	_ =	shalt  }
0x68: {  	_ =	shalt  }
0x69: {  	_ =	shalt  }
0x6a: {  	_ =	shalt  }
0x6b: {  	_ =	shalt  }
0x6c: {  	_ =	shalt  }
0x6d: {  	_ =	shalt  }
0x6e: {  	_ =	shalt  }
0x6f: {  	_ =	shalt  }
0x70: {  	_ =	shalt  }
0x71: {  	_ =	shalt  }
0x72: {  	_ =	shalt  }
0x73: {  	_ =	shalt  }
0x74: {  	_ =	shalt  }
0x75: {  	_ =	shalt  }
0x76: {  	_ =	shalt  }
0x77: {  	_ =	shalt  }
0x78: {  	_ =	shalt  }
0x79: {  	_ =	shalt  }
0x7a: {  	_ =	shalt  }
0x7b: {  	_ =	shalt  }
0x7c: {  	_ =	shalt  }
0x7d: {  	_ =	shalt  }
0x7e: {  	_ =	shalt  }
0x7f: {  	_ =	shalt  }
0x80: {  	_ =	shalt  }
0x81: {  	_ =	shalt  }
0x82: {  	_ =	shalt  }
0x83: {  	_ =	shalt  }
0x84: {  	_ =	shalt  }
0x85: {  	_ =	shalt  }
0x86: {  	_ =	shalt  }
0x87: {  	_ =	shalt  }
.Lfunc_end0:
.L_simem_size_0:
called_computation_lowered:
.L_overlay_start_0:
0x88: {  	s2 =	sld [smem:$0x3FD9]  }
0x89: {  	s3 =	sld [smem:$0x3FFE];
	_ =	sdelay $0x1  }
0x8a: {  	s1 =	srdreg.scid  }
0x8b: {  	s0 =	sand.u32 $0x1, s1  }
0x8c: {  	s17 =	sshll.u32 s0, $0xA;
	s2 =	sadd.s32 s3, s2  }
0x8d: {  	s2 =	sadd.s32 s2, s17  }
0x8e: {  	[smem:$0x3FC4] =	sst s2  }
0x8f: {  	_ = 	snop  }
0x90: {  	s2 =	sld [smem:$0x3FD0];
	(tm) =	ssettm $0x1  }
0x91: {  	s18 =	sld [smem:$0x3FFB];
	_ =	sdelay $0x3  }
0x92: {  	_ =	strace s18  }
0x93: {  	s3 =	sld [smem:$0x3FFC];
	_ =	sdelay $0x3  }
0x94: {  	_ =	strace s3  }
0x95: {  	s3 =	sld [smem:$0x3FFD];
	_ =	sdelay $0x3  }
0x96: {  	_ =	strace s3  }
0x97: {  	_ =	strace $0x8FFFFFFF  }
0x98: {  	s19 =	sld [smem:$0x3FDB];
	_ =	sdelay $0x1  }
0x99: {  	s4 =	simm.s32 $_scs_section_size  }
0x9a: {  	s5 =	simm.s32 $_size__tile_overlayer_lowered;
	s6 =	simm.s32 $_tile_overlayer_lowered  }
0x9b: {  	s22 =	simm.s32 $0x1BFF;
	s21 =	sshll.u32 s6, $0x1;
	s3 =	sadd.s32 s4, s19  }
0x9c: {  	s7 =	simm.s32 $0x0;
	s20 =	sshll.u32 s5, $0x1;
	s5 =	sadd.s32 s21, s3  }
0x9d: {  	[timem:s7], [sflag:s22] =	dma.local [hbm:s5], s20  }
0x9e: {  	_ =	swait.ge [sflag:s22], s20  }
0x9f: {  	s4 =	ssub.s32 $0x0, s20;
	[sflag:s22] =	ssyncset.done $0x0  }
0xa0: {  	[sflag:s22] =	ssyncadd.s32 s4;
	_ =	sdelay $0x1  }
0xa1: {  	s23 =	simm.s32 $0x1B8B  }
0xa2: {  	_ =	swait.ge [sflag:s23], $0x1  }
0xa3: {  	[sflag:s23] =	ssyncset.done $0x0  }
0xa4: {  	s25 =	simm.s32 $0x1B8E;
	s24 =	sld [smem:$0x3FFE];
	[sflag:s23] =	ssyncadd.s32 $0xFFFFFFFF  }
0xa5: {  	s26 =	simm.s32 $execute0_lowered;
	[smem:$0x3FD2] =	sst s25  }
0xa6: {  	s5 =	sshll.u32 s26, $0x1;
	_ =	strace $0x80000046;
	[dreg:$0x1] =	wrdreg $0xFFFFFFFF  }
0xa7: {  	s28 =	simm.s32 $_size_execute0_lowered;
	s3 =	sadd.s32 s3, s5;
	[dreg:$0x0] =	wrdreg $0x0  }
0xa8: {  	s5 =	sshll.u32 s28, $0x1;
	[dreg:$0x2] =	wrdreg s3  }
0xa9: {  	[dreg:$0x3] =	wrdreg s5  }
0xaa: {  	[dreg:$0x4] =	wrdreg $0xC0  }
0xab: {  	_ =	task [dreg:s7], $0x5FFFF  }
0xac: {  	[dreg:$0x1] =	wrdreg $0xFFFFFFFF  }
0xad: {  	[dreg:$0x0] =	wrdreg $0x60  }
0xae: {  	[dreg:$0x2] =	wrdreg s24  }
0xaf: {  	[dreg:$0x3] =	wrdreg s2  }
0xb0: {  	[dreg:$0x4] =	wrdreg $0x9  }
0xb1: {  	_ =	task.clear_ibuf [dreg:s7], $0x5FFFF;
	_ =	strace $0x90000046  }
0xb2: {  	s29 =	simm.s32 $0x9;
	_ =	strace $0x80000048  }
0xb3: {  	_ =	swait.ge [sflag:s29], $0x1  }
0xb4: {  	[sflag:s29] =	ssyncadd.s32 $0xFFFFFFFF  }
0xb5: {  	_ =	strace $0x90000048  }
0xb6: {  	_ =	sfence  }
0xb7: {  	s30 =	sld [smem:$0x0];
	_ =	sdelay $0x2  }
0xb8: {  	s31 =	sshll.u32 s1, $0xD;
	s1 =	sshrl.u32 s1, $0x2  }
0xb9: {  	s3 =	sand.u32 $0x4000, s31;
	s1 =	sadd.s32 s1, s30  }
0xba: {  	s0 =	sor.u32 s3, s0;
	s1 =	sshll.u32 s1, $0x11  }
0xbb: {  	s0 =	sor.u32 s1, s0  }
0xbc: {  	s0 =	sadd.s32 $0x8F2B, s0  }
0xbd: {  	[sflag:s0] =	ssyncadd.remote.s32 $0x1  }
0xbe: {  	_ =	sfence.sel $0xFFFF  }
0xbf: {  	[dreg:$0x0] =	wrdreg $0xFFFFFFFF;
	(pc) =	sbr.abs _section_cstart, $3  }
0xc0: {  	[dreg:$0x1] =	wrdreg $0xFFFFFFFF  }
0xc1: {  	_ =	task.clear_ibuf [dreg:s7], $0x2FFFF;
	_ =	strace $0x9FFFFFFF  }
0xc2: {  	(tm) =	ssettm $0x7FFFFFFF  }
0xc3: {  	_ =	shalt  }
tec
execute0_lowered:
.L_overlay_start_1:
0x0: {  	(tag) =	ssettag $0x1  }
0x1: {  	s1 =	srdreg.scid  }
0x2: {  	s3 =	rddreg [dreg:$0x0];
	s0 =	stileid.u32  }
0x3: {  	s5 =	rddreg [dreg:$0x1];
	s2 =	simm.s32 $0x0;
	s9 =	simm.s32 $0x80  }
0x4: {  	s10 =	simm.s32 $0x6400;
	s11 =	simm.s32 $0x6C00;
	s12 =	simm.s32 $0x100  }
0x5: {  	s13 =	simm.s32 $0x7400;
	s14 =	simm.s32 $0x1;
	s15 =	simm.s32 $0x7C00  }
0x6: {  	s16 =	simm.s32 $0x2;
	s17 =	simm.s32 $0x3;
	s18 =	simm.s32 $0x4  }
0x7: {  	s19 =	simm.s32 $0x8400;
	s20 =	simm.s32 $0x0;
	s4 =	sand.u32 $0x1, s1  }
0x8: {  	s6 =	sshll.u32 s0, $0x8;
	s1 =	rddreg [dreg:$0x2];
	s7 =	sshll.u32 s4, $0x7  }
0x9: {  	[smem:$0x7FF] =	sst s2;
	s4 =	ssub.s32 $0x2, s4;
	s6 =	sor.u32 s7, s6  }
0xa: {  	_ =	strace $0x80000047;
	s8 =	sshrl.u32 s4, $0x1;
	s7 =	sshrl.u32 s6, $0x3  }
0xb: {  	s6 =	sshll.u32 s6, $0x1;
	s8 =	ssub.s32 s4, s8;
	s7 =	sadd.s32 s7, s3  }
0xc: {  	s3 =	sadd.s32 $0x19800, s3;
	s5 =	sadd.s32 s5, s6;
	s6 =	smax.u32 s8, $0x1  }
0xd: {  	v0 =	vimm.f32 $0.0e+00;
	s8 =	simm.s32 $0x5;
	s4 =	sadd.s32 $0x800, s7;
	s7 =	simm.s32 $0x1000  }
.LBB2_1:
0xe: {  	[tilespmem:s2], [sflag:$0x5] =	stream.strided.gather [hbm4b:s4+s9], $0x6400, s7, s9, $0x38;
	[tilespmem:$0x8C00] =	vst v63  }
0xf: {  	_ =	swait.ge [sflag:s8], $0x6400  }
0x10: {  	[sflag:s8] =	ssyncset.done $0x0  }
0x11: {  	[sflag:s8] =	ssyncadd.s32 $0xFFFF9C00  }
0x12: {  	v2 =	vld [tilespmem:s9+$0xFFFFFF80]  }
0x13: {  	v3 =	vld [tilespmem:s9+$0xFFFFFF90]  }
0x14: {  	v5 =	vld [tilespmem:s9+$0xFFFFFFA0]  }
0x15: {  	v9 =	vld [tilespmem:s9+$0xFFFFFFC0]  }
0x16: {  	v13 =	vld [tilespmem:s9+$0xFFFFFFE0]  }
0x17: {  	v52 =	vld [tilespmem:s9+$0x10]  }
0x18: {  	v54 =	vld [tilespmem:s9+$0x20]  }
0x19: {  	v56 =	vld [tilespmem:s9+$0x30];
	v4 =	vshll.u32 v2, $0x3  }
0x1a: {  	v6 =	vand.u32 $0xFFFF8000, v2;
	v2 =	vshrl.u32 v2, $0xC;
	v7 =	vshll.u32 v3, $0x3  }
0x1b: {  	v10 =	vand.u32 $0xFFFF8000, v5;
	v12 =	vshll.u32 v9, $0x3;
	v14 =	vand.u32 $0xFFFF8000, v9  }
0x1c: {  	v1 =	vld [tilespmem:s9+$0xFFFFFFF0];
	v9 =	vshrl.u32 v9, $0xC;
	v51 =	vshll.u32 v13, $0x3;
	v15 =	vand.u32 $0xFFFF8000, v13  }
0x1d: {  	v13 =	vshrl.u32 v13, $0xC;
	v57 =	vshll.u32 v52, $0x3;
	v16 =	vand.u32 $0xFFFF8000, v52  }
0x1e: {  	v59 =	vand.u32 $0xFFFF8000, v54;
	v60 =	vshll.u32 v54, $0x3;
	v61 =	vshll.u32 v56, $0x3  }
0x1f: {  	v4 =	vand.u32 $0x7FF8, v4;
	v2 =	vand.u32 $0x7, v2;
	v7 =	vand.u32 $0x7FF8, v7  }
0x20: {  	v12 =	vand.u32 $0x7FF8, v12;
	v9 =	vand.u32 $0x7, v9;
	v4 =	vor.u32 v6, v4  }
0x21: {  	v8 =	vld [tilespmem:s9+$0xFFFFFFB0];
	v53 =	vand.u32 $0x7, v13;
	v6 =	vshll.u32 v1, $0x3;
	v4 =	vor.u32 v2, v4  }
0x22: {  	v2 =	vand.u32 $0x7FF8, v6;
	v6 =	vand.u32 $0xFFFF8000, v3;
	v3 =	vshrl.u32 v3, $0xC  }
0x23: {  	v13 =	vand.u32 $0x7FF8, v57;
	v6 =	vor.u32 v6, v7;
	v3 =	vand.u32 $0x7, v3  }
0x24: {  	v7 =	vshll.u32 v5, $0x3;
	v5 =	vshrl.u32 v5, $0xC;
	[tilespmem:s9+$0xFFFFFF80] =	vst v4;
	v4 =	vand.u32 $0x7FF8, v60  }
0x25: {  	v7 =	vand.u32 $0x7FF8, v7;
	v3 =	vor.u32 v3, v6;
	v5 =	vand.u32 $0x7, v5  }
0x26: {  	v11 =	vld [tilespmem:s9+$0xFFFFFFD0];
	v4 =	vor.u32 v59, v4;
	v6 =	vor.u32 v10, v7;
	v10 =	vshll.u32 v8, $0x3  }
0x27: {  	v7 =	vand.u32 $0xFFFF8000, v8;
	v8 =	vshrl.u32 v8, $0xC;
	v10 =	vand.u32 $0x7FF8, v10  }
0x28: {  	v17 =	vld [tilespmem:s9+$0x40];
	[tilespmem:s9+$0xFFFFFF90] =	vst v3;
	v3 =	vand.u32 $0xFFFF8000, v56;
	v8 =	vand.u32 $0x7, v8;
	v7 =	vor.u32 v7, v10  }
0x29: {  	v5 =	vor.u32 v5, v6;
	v10 =	vor.u32 v14, v12;
	v6 =	vor.u32 v8, v7;
	v8 =	vld [tilespmem:s9+$0x0]  }
0x2a: {  	v12 =	vand.u32 $0x7FF8, v51;
	v14 =	vshrl.u32 v52, $0xC;
	v7 =	vor.u32 v9, v10  }
0x2b: {  	v9 =	vand.u32 $0xFFFF8000, v11;
	v10 =	vshll.u32 v11, $0x3;
	v11 =	vshrl.u32 v11, $0xC  }
0x2c: {  	v58 =	vand.u32 $0x7, v14;
	v10 =	vand.u32 $0x7FF8, v10;
	v11 =	vand.u32 $0x7, v11  }
0x2d: {  	[tilespmem:s9+$0xFFFFFFC0] =	vst v7;
	v7 =	vshrl.u32 v17, $0xC;
	v9 =	vor.u32 v9, v10;
	v10 =	vor.u32 v15, v12  }
0x2e: {  	v12 =	vshrl.u32 v54, $0xC;
	v9 =	vor.u32 v11, v9;
	v11 =	vshll.u32 v8, $0x3  }
0x2f: {  	v55 =	vand.u32 $0xFFFF8000, v8;
	v8 =	vshrl.u32 v8, $0xC;
	v11 =	vand.u32 $0x7FF8, v11  }
0x30: {  	v15 =	vshrl.u32 v56, $0xC;
	v8 =	vand.u32 $0x7, v8;
	v11 =	vor.u32 v55, v11  }
0x31: {  	v18 =	vld [tilespmem:s9+$0x50];
	v8 =	vor.u32 v8, v11;
	v11 =	vor.u32 v16, v13;
	v16 =	vand.u32 $0x7FF8, v61  }
0x32: {  	[tilespmem:s9+$0xFFFFFFA0] =	vst v5;
	v12 =	vand.u32 $0x7, v12;
	v5 =	vand.u32 $0x7, v15;
	v3 =	vor.u32 v3, v16  }
0x33: {  	[tilespmem:s9+$0xFFFFFFB0] =	vst v6;
	v6 =	vor.u32 v58, v11;
	v3 =	vor.u32 v5, v3;
	v5 =	vshll.u32 v17, $0x3  }
0x34: {  	v62 =	vld [tilespmem:s9+$0x60];
	v11 =	vor.u32 v12, v4;
	v4 =	vand.u32 $0xFFFF8000, v17;
	v5 =	vand.u32 $0x7FF8, v5  }
0x35: {  	v7 =	vand.u32 $0x7, v7;
	[tilespmem:s9+$0xFFFFFFD0] =	vst v9;
	v4 =	vor.u32 v4, v5  }
0x36: {  	v10 =	vor.u32 v53, v10;
	v9 =	vshll.u32 v18, $0x3;
	[tilespmem:s9+$0x10] =	vst v6;
	v6 =	vor.u32 v7, v4;
	v4 =	vld [tilespmem:s9+$0x70]  }
0x37: {  	v63 =	vshrl.u32 v18, $0xC;
	[tilespmem:s9+$0xFFFFFFE0] =	vst v10;
	v10 =	vand.u32 $0xFFFF8000, v18;
	v9 =	vand.u32 $0x7FF8, v9  }
0x38: {  	[tilespmem:s9+$0x0] =	vst v8;
	v8 =	vand.u32 $0x7, v63;
	v5 =	vor.u32 v10, v9  }
0x39: {  	v5 =	vor.u32 v8, v5;
	v8 =	vshll.u32 v62, $0x3  }
0x3a: {  	s22 =	simm.s32 $0x0;
	s23 =	simm.s32 $0x180;
	s21 =	simm.s32 $0x80;
	[tilespmem:s9+$0x20] =	vst v11;
	v7 =	vand.u32 $0xFFFF8000, v62;
	v9 =	vand.u32 $0x7FF8, v8;
	v8 =	vshrl.u32 v62, $0xC  }
.LBB2_2:
0x3b: {  	v10 =	vld [tilespmem:s23+$0xFFFFFF80];
	[tilespmem:s21+$0x30] =	vst v3;
	v3 =	vor.u32 v7, v9;
	v7 =	vand.u32 $0x7, v8;
	v8 =	vshll.u32 v4, $0x3  }
0x3c: {  	v9 =	vld [tilespmem:s23+$0xFFFFFFF0];
	[tilespmem:s21+$0x40] =	vst v6;
	v6 =	vand.u32 $0xFFFF8000, v4;
	v8 =	vand.u32 $0x7FF8, v8;
	v4 =	vshrl.u32 v4, $0xC  }
0x3d: {  	v3 =	vor.u32 v7, v3;
	[tilespmem:s21+$0x50] =	vst v5;
	v5 =	vor.u32 v6, v8;
	v4 =	vand.u32 $0x7, v4  }
0x3e: {  	v7 =	vand.u32 $0xFFFF8000, v1;
	v1 =	vshrl.u32 v1, $0xC;
	v6 =	vld [tilespmem:s23+$0xFFFFFF90];
	[tilespmem:s21+$0x60] =	vst v3;
	v3 =	vor.u32 v4, v5  }
0x3f: {  	v2 =	vor.u32 v7, v2;
	v8 =	vand.u32 $0x7, v1;
	[tilespmem:s21+$0x70] =	vst v3  }
0x40: {  	v7 =	vor.u32 v8, v2;
	v3 =	vshll.u32 v10, $0x3;
	v4 =	vld [tilespmem:s23+$0xFFFFFFA0]  }
0x41: {  	v2 =	vand.u32 $0xFFFF8000, v10;
	v5 =	vshrl.u32 v10, $0xC;
	v3 =	vand.u32 $0x7FF8, v3;
	[tilespmem:s21+$0xFFFFFFF0] =	vst v7;
	v1 =	vmovc v9;
	s21 =	smov.u32 s23  }
0x42: {  	v2 =	vor.u32 v2, v3;
	v3 =	vand.u32 $0x7, v5;
	v5 =	vshll.u32 v1, $0x3  }
0x43: {  	v3 =	vor.u32 v3, v2;
	v7 =	vshll.u32 v6, $0x3;
	v8 =	vld [tilespmem:s23+$0xFFFFFFB0];
	v2 =	vand.u32 $0x7FF8, v5  }
0x44: {  	v5 =	vand.u32 $0xFFFF8000, v6;
	v6 =	vshrl.u32 v6, $0xC;
	v7 =	vand.u32 $0x7FF8, v7;
	v9 =	vld [tilespmem:s23+$0xFFFFFFC0]  }
0x45: {  	v6 =	vand.u32 $0x7, v6;
	v5 =	vor.u32 v5, v7;
	v7 =	vshll.u32 v4, $0x3  }
0x46: {  	v10 =	vand.u32 $0xFFFF8000, v4;
	v4 =	vshrl.u32 v4, $0xC;
	v7 =	vand.u32 $0x7FF8, v7  }
0x47: {  	v5 =	vor.u32 v6, v5;
	v4 =	vand.u32 $0x7, v4;
	v6 =	vor.u32 v10, v7  }
0x48: {  	v7 =	vand.u32 $0xFFFF8000, v8;
	v10 =	vshll.u32 v8, $0x3;
	v8 =	vshrl.u32 v8, $0xC;
	v11 =	vld [tilespmem:s23+$0xFFFFFFD0]  }
0x49: {  	v10 =	vand.u32 $0x7FF8, v10;
	v8 =	vand.u32 $0x7, v8;
	v12 =	vshll.u32 v9, $0x3;
	v13 =	vld [tilespmem:s23+$0xFFFFFFE0]  }
0x4a: {  	v14 =	vand.u32 $0xFFFF8000, v9;
	v9 =	vshrl.u32 v9, $0xC;
	v12 =	vand.u32 $0x7FF8, v12  }
0x4b: {  	v7 =	vor.u32 v7, v10;
	v9 =	vand.u32 $0x7, v9;
	v10 =	vor.u32 v14, v12  }
0x4c: {  	v4 =	vor.u32 v4, v6;
	v6 =	vor.u32 v8, v7;
	v7 =	vor.u32 v9, v10;
	v8 =	vld [tilespmem:s23+$0x0]  }
0x4d: {  	v9 =	vand.u32 $0xFFFF8000, v11;
	v10 =	vshll.u32 v11, $0x3;
	v11 =	vshrl.u32 v11, $0xC  }
0x4e: {  	v10 =	vand.u32 $0x7FF8, v10;
	v11 =	vand.u32 $0x7, v11;
	v12 =	vshll.u32 v13, $0x3;
	v14 =	vld [tilespmem:s23+$0x10]  }
0x4f: {  	v15 =	vand.u32 $0xFFFF8000, v13;
	v13 =	vshrl.u32 v13, $0xC;
	v12 =	vand.u32 $0x7FF8, v12  }
0x50: {  	v9 =	vor.u32 v9, v10;
	v10 =	vor.u32 v15, v12;
	v12 =	vand.u32 $0x7, v13  }
0x51: {  	v9 =	vor.u32 v11, v9;
	v10 =	vor.u32 v12, v10;
	v11 =	vshll.u32 v8, $0x3;
	v12 =	vld [tilespmem:s23+$0x20]  }
0x52: {  	v13 =	vand.u32 $0xFFFF8000, v8;
	v8 =	vshrl.u32 v8, $0xC;
	v11 =	vand.u32 $0x7FF8, v11;
	v15 =	vld [tilespmem:s23+$0x30]  }
0x53: {  	v8 =	vand.u32 $0x7, v8;
	v11 =	vor.u32 v13, v11;
	v13 =	vshll.u32 v14, $0x3  }
0x54: {  	v16 =	vand.u32 $0xFFFF8000, v14;
	v14 =	vshrl.u32 v14, $0xC;
	v13 =	vand.u32 $0x7FF8, v13  }
0x55: {  	v8 =	vor.u32 v8, v11;
	v11 =	vor.u32 v16, v13;
	v13 =	vand.u32 $0x7, v14  }
0x56: {  	v14 =	vand.u32 $0xFFFF8000, v12;
	v16 =	vshll.u32 v12, $0x3;
	v12 =	vshrl.u32 v12, $0xC;
	v17 =	vld [tilespmem:s23+$0x40]  }
0x57: {  	[tilespmem:s23+$0xFFFFFF80] =	vst v3;
	v3 =	vand.u32 $0x7FF8, v16;
	v12 =	vand.u32 $0x7, v12;
	v16 =	vshll.u32 v15, $0x3;
	v18 =	vld [tilespmem:s23+$0x50]  }
0x58: {  	[tilespmem:s23+$0xFFFFFF90] =	vst v5;
	v5 =	vand.u32 $0xFFFF8000, v15;
	v16 =	vand.u32 $0x7FF8, v16;
	v15 =	vshrl.u32 v15, $0xC  }
0x59: {  	v3 =	vor.u32 v14, v3;
	[tilespmem:s23+$0xFFFFFFA0] =	vst v4;
	v4 =	vor.u32 v5, v16;
	v5 =	vand.u32 $0x7, v15  }
0x5a: {  	s22 =	sadd.s32 $0x2, s22;
	[tilespmem:s23+$0xFFFFFFB0] =	vst v6;
	v6 =	vor.u32 v13, v11;
	v11 =	vor.u32 v12, v3;
	v3 =	vor.u32 v5, v4;
	v12 =	vld [tilespmem:s23+$0x60]  }
0x5b: {  	p0 =	slt.u32 s22, $0xC6;
	[tilespmem:s23+$0xFFFFFFC0] =	vst v7;
	v5 =	vand.u32 $0xFFFF8000, v17;
	v4 =	vshll.u32 v17, $0x3;
	v7 =	vshrl.u32 v17, $0xC  }
.Ltmp0:
0x5c: {  	[tilespmem:s23+$0xFFFFFFD0] =	vst v9;
	v9 =	vand.u32 $0x7FF8, v4;
	v7 =	vand.u32 $0x7, v7;
	v13 =	vshll.u32 v18, $0x3;
	v4 =	vld [tilespmem:s23+$0x70];
	(pc) =	sbr.rel @p0 .LBB2_2-.Ltmp0, $4  }
0x5d: {  	v14 =	vshrl.u32 v18, $0xC;
	[tilespmem:s23+$0xFFFFFFE0] =	vst v10;
	v10 =	vand.u32 $0xFFFF8000, v18;
	v13 =	vand.u32 $0x7FF8, v13  }
0x5e: {  	v5 =	vor.u32 v5, v9;
	v9 =	vand.u32 $0x7, v14;
	[tilespmem:s23+$0x0] =	vst v8;
	v8 =	vor.u32 v10, v13  }
0x5f: {  	[tilespmem:s23+$0x10] =	vst v6;
	v6 =	vor.u32 v7, v5;
	v5 =	vor.u32 v9, v8;
	v8 =	vshll.u32 v12, $0x3  }
0x60: {  	v7 =	vand.u32 $0xFFFF8000, v12;
	s23 =	sadd.s32 $0x100, s23;
	[tilespmem:s21+$0x20] =	vst v11;
	v9 =	vand.u32 $0x7FF8, v8;
	v8 =	vshrl.u32 v12, $0xC  }
0x61: {  	v7 =	vor.u32 v7, v9;
	v59 =	vshll.u32 v4, $0x3  }
0x62: {  	[tilespmem:s21+$0x30] =	vst v3;
	v3 =	vand.u32 $0x7, v8;
	v60 =	vand.u32 $0xFFFF8000, v4;
	v61 =	vshrl.u32 v4, $0xC  }
0x63: {  	[tilespmem:s21+$0x40] =	vst v6;
	v63 =	vand.u32 $0xFFFF8000, v1;
	v1 =	vshrl.u32 v1, $0xC;
	v9 =	vand.u32 $0x7FF8, v59  }
0x64: {  	[tilespmem:s21+$0x50] =	vst v5;
	v3 =	vor.u32 v3, v7;
	v2 =	vor.u32 v63, v2;
	v1 =	vand.u32 $0x7, v1  }
0x65: {  	v4 =	vand.u32 $0x7, v61;
	v62 =	vor.u32 v60, v9;
	[tilespmem:s21+$0x60] =	vst v3;
	v1 =	vor.u32 v1, v2  }
0x66: {  	v3 =	vor.u32 v4, v62;
	[tilespmem:s21+$0xFFFFFFF0] =	vst v1  }
0x67: {  	s22 =	simm.s32 $0x0;
	[tilespmem:s21+$0x70] =	vst v3;
	s21 =	simm.s32 $0x40  }
.LBB2_4:
0x68: {  	p0 =	sne.s32 s21, $0x1FC0;
	[tilespmem:s22+$0x8400] =	vst v0;
	s22 =	smov.u32 s21;
	s21 =	sadd.s32 $0x40, s21  }
.Ltmp1:
0x69: {  	(pc) =	sbr.rel @p0 .LBB2_4-.Ltmp1, $2  }
0x6a: {  	_ =	sdelay $0x2  }
0x6b: {  	s22 =	sshra.s32 s22, $0x2  }
0x6c: {  	[tilespmem:s22+$0x8400] =	vst v0;
	s21 =	simm.s32 $0x0  }
0x6d: {  	[tilespmem:s10], [sflag:$0x1] =	stream.indirect.gather [hbm4b:s3+s9], $0x10, s21, s9, $0xb8;
	[tilespmem:$0x8C00] =	vst v63  }
0x6e: {  	_ = 	snop  }
0x6f: {  	[tilespmem:s11], [sflag:$0x2] =	stream.indirect.gather [hbm4b:s3+s9], $0x10, s9, s9, $0xb8;
	[tilespmem:$0x8C00] =	vst v63  }
0x70: {  	_ = 	snop  }
0x71: {  	[tilespmem:s13], [sflag:$0x3] =	stream.indirect.gather [hbm4b:s3+s9], $0x10, s12, s9, $0xb8;
	[tilespmem:$0x8C00] =	vst v63  }
.LBB2_6:
0x72: {  	_ =	swait.ge [sflag:s14], $0x800;
	s22 =	sshll.u32 s21, $0x9  }
0x73: {  	[sflag:s14] =	ssyncset.done $0x0;
	s22 =	sand.u32 $0x3FFFFE00, s22  }
0x74: {  	[sflag:s14] =	ssyncadd.s32 $0xFFFFF800;
	s23 =	sor.u32 $0x180, s22  }
0x75: {  	[tilespmem:s15], [sflag:$0x4] =	stream.indirect.gather [hbm4b:s3+s9], $0x10, s23, s9, $0xb8;
	[tilespmem:$0x8C00] =	vst v63  }
0x76: {  	s23 =	simm.s32 $0x0  }
0x77: {  	v1 =	vld [tilespmem:s23+$0x6470]  }
0x78: {  	v2 =	vld [tilespmem:s23+$0x6400]  }
0x79: {  	v3 =	vld [tilespmem:s23+$0x6410]  }
0x7a: {  	v4 =	vld [tilespmem:s23+$0x6420]  }
0x7b: {  	v5 =	vld [tilespmem:s23+$0x6430]  }
0x7c: {  	v6 =	vld [tilespmem:s23+$0x6440]  }
0x7d: {  	v7 =	vld [tilespmem:s23+$0x6450]  }
0x7e: {  	[tilespmem:s23+$0x8470] =	vst.add.f32.msk $0xffff, v1  }
0x7f: {  	v1 =	vld [tilespmem:s23+$0x6460]  }
0x80: {  	[tilespmem:s23+$0x8400] =	vst.add.f32.msk $0xffff, v2  }
0x81: {  	[tilespmem:s23+$0x8410] =	vst.add.f32.msk $0xffff, v3  }
0x82: {  	[tilespmem:s23+$0x8420] =	vst.add.f32.msk $0xffff, v4  }
0x83: {  	[tilespmem:s23+$0x8430] =	vst.add.f32.msk $0xffff, v5  }
0x84: {  	[tilespmem:s23+$0x8440] =	vst.add.f32.msk $0xffff, v6  }
0x85: {  	s24 =	simm.s32 $0x0;
	s25 =	simm.s32 $0x200;
	[tilespmem:s23+$0x8450] =	vst.add.f32.msk $0xffff, v7  }
.LBB2_7:
0x86: {  	s24 =	sadd.s32 $0x8, s24;
	[tilespmem:s23+$0x8460] =	vst.add.f32.msk $0xffff, v1;
	s23 =	sshra.s32 s25, $0x2  }
0x87: {  	v1 =	vld [tilespmem:s23+$0x6470];
	p0 =	slt.u32 s24, $0x78  }
0x88: {  	v2 =	vld [tilespmem:s23+$0x6400]  }
0x89: {  	v3 =	vld [tilespmem:s23+$0x6410]  }
0x8a: {  	v4 =	vld [tilespmem:s23+$0x6420]  }
0x8b: {  	v5 =	vld [tilespmem:s23+$0x6430]  }
0x8c: {  	[tilespmem:s23+$0x8470] =	vst.add.f32.msk $0xffff, v1  }
0x8d: {  	v6 =	vld [tilespmem:s23+$0x6440]  }
0x8e: {  	v7 =	vld [tilespmem:s23+$0x6450]  }
0x8f: {  	v1 =	vld [tilespmem:s23+$0x6460]  }
0x90: {  	[tilespmem:s23+$0x8400] =	vst.add.f32.msk $0xffff, v2  }
.Ltmp2:
0x91: {  	[tilespmem:s23+$0x8410] =	vst.add.f32.msk $0xffff, v3;
	(pc) =	sbr.rel @p0 .LBB2_7-.Ltmp2, $4  }
0x92: {  	[tilespmem:s23+$0x8420] =	vst.add.f32.msk $0xffff, v4  }
0x93: {  	[tilespmem:s23+$0x8430] =	vst.add.f32.msk $0xffff, v5  }
0x94: {  	[tilespmem:s23+$0x8440] =	vst.add.f32.msk $0xffff, v6  }
0x95: {  	s25 =	sadd.s32 $0x200, s25;
	[tilespmem:s23+$0x8450] =	vst.add.f32.msk $0xffff, v7  }
0x96: {  	[tilespmem:s23+$0x8460] =	vst.add.f32.msk $0xffff, v1  }
0x97: {  	p0 =	seq.s32 s21, $0x31;
	_ =	swait.ge [sflag:s16], $0x800  }
0x98: {  	s23 =	sadd.s32 @!p0 $0x200, s22;
	[sflag:s16] =	ssyncset.done $0x0  }
0x99: {  	s24 =	simm.s32 @!p0 $0x80;
	s25 =	simm.s32 @!p0 $0x6400;
	[sflag:s16] =	ssyncadd.s32 $0xFFFFF800  }
0x9a: {  	[tilespmem:s25], [sflag:$0x1] =	stream.indirect.gather @!p0 [hbm4b:s3+s24], $0x10, s23, s24, $0xb8;
	[tilespmem:$0x8C00] =	vst v63  }
0x9b: {  	s23 =	simm.s32 $0x0  }
0x9c: {  	v1 =	vld [tilespmem:s23+$0x6C70]  }
0x9d: {  	v2 =	vld [tilespmem:s23+$0x6C00]  }
0x9e: {  	v3 =	vld [tilespmem:s23+$0x6C10]  }
0x9f: {  	v4 =	vld [tilespmem:s23+$0x6C20]  }
0xa0: {  	v5 =	vld [tilespmem:s23+$0x6C30]  }
0xa1: {  	v6 =	vld [tilespmem:s23+$0x6C40]  }
0xa2: {  	v7 =	vld [tilespmem:s23+$0x6C50]  }
0xa3: {  	[tilespmem:s23+$0x8470] =	vst.add.f32.msk $0xffff, v1  }
0xa4: {  	v1 =	vld [tilespmem:s23+$0x6C60]  }
0xa5: {  	[tilespmem:s23+$0x8400] =	vst.add.f32.msk $0xffff, v2  }
0xa6: {  	[tilespmem:s23+$0x8410] =	vst.add.f32.msk $0xffff, v3  }
0xa7: {  	[tilespmem:s23+$0x8420] =	vst.add.f32.msk $0xffff, v4  }
0xa8: {  	[tilespmem:s23+$0x8430] =	vst.add.f32.msk $0xffff, v5  }
0xa9: {  	[tilespmem:s23+$0x8440] =	vst.add.f32.msk $0xffff, v6  }
0xaa: {  	s24 =	simm.s32 $0x0;
	s25 =	simm.s32 $0x200;
	[tilespmem:s23+$0x8450] =	vst.add.f32.msk $0xffff, v7  }
.LBB2_9:
0xab: {  	s24 =	sadd.s32 $0x8, s24;
	[tilespmem:s23+$0x8460] =	vst.add.f32.msk $0xffff, v1;
	s23 =	sshra.s32 s25, $0x2  }
0xac: {  	v1 =	vld [tilespmem:s23+$0x6C70];
	p1 =	slt.u32 s24, $0x78  }
0xad: {  	v2 =	vld [tilespmem:s23+$0x6C00]  }
0xae: {  	v3 =	vld [tilespmem:s23+$0x6C10]  }
0xaf: {  	v4 =	vld [tilespmem:s23+$0x6C20]  }
0xb0: {  	v5 =	vld [tilespmem:s23+$0x6C30]  }
0xb1: {  	[tilespmem:s23+$0x8470] =	vst.add.f32.msk $0xffff, v1  }
0xb2: {  	v6 =	vld [tilespmem:s23+$0x6C40]  }
0xb3: {  	v7 =	vld [tilespmem:s23+$0x6C50]  }
0xb4: {  	v1 =	vld [tilespmem:s23+$0x6C60]  }
0xb5: {  	[tilespmem:s23+$0x8400] =	vst.add.f32.msk $0xffff, v2  }
.Ltmp3:
0xb6: {  	[tilespmem:s23+$0x8410] =	vst.add.f32.msk $0xffff, v3;
	(pc) =	sbr.rel @p1 .LBB2_9-.Ltmp3, $4  }
0xb7: {  	[tilespmem:s23+$0x8420] =	vst.add.f32.msk $0xffff, v4  }
0xb8: {  	[tilespmem:s23+$0x8430] =	vst.add.f32.msk $0xffff, v5  }
0xb9: {  	[tilespmem:s23+$0x8440] =	vst.add.f32.msk $0xffff, v6  }
0xba: {  	s25 =	sadd.s32 $0x200, s25;
	[tilespmem:s23+$0x8450] =	vst.add.f32.msk $0xffff, v7  }
0xbb: {  	[tilespmem:s23+$0x8460] =	vst.add.f32.msk $0xffff, v1  }
0xbc: {  	_ =	swait.ge [sflag:s17], $0x800  }
0xbd: {  	s23 =	sadd.s32 @!p0 $0x280, s22;
	[sflag:s17] =	ssyncset.done $0x0  }
0xbe: {  	s24 =	simm.s32 @!p0 $0x80;
	s25 =	simm.s32 @!p0 $0x6C00;
	[sflag:s17] =	ssyncadd.s32 $0xFFFFF800  }
0xbf: {  	[tilespmem:s25], [sflag:$0x2] =	stream.indirect.gather @!p0 [hbm4b:s3+s24], $0x10, s23, s24, $0xb8;
	[tilespmem:$0x8C00] =	vst v63  }
0xc0: {  	s23 =	simm.s32 $0x0  }
0xc1: {  	v1 =	vld [tilespmem:s23+$0x7470]  }
0xc2: {  	v2 =	vld [tilespmem:s23+$0x7400]  }
0xc3: {  	v3 =	vld [tilespmem:s23+$0x7410]  }
0xc4: {  	v4 =	vld [tilespmem:s23+$0x7420]  }
0xc5: {  	v5 =	vld [tilespmem:s23+$0x7430]  }
0xc6: {  	v6 =	vld [tilespmem:s23+$0x7440]  }
0xc7: {  	v7 =	vld [tilespmem:s23+$0x7450]  }
0xc8: {  	[tilespmem:s23+$0x8470] =	vst.add.f32.msk $0xffff, v1  }
0xc9: {  	v1 =	vld [tilespmem:s23+$0x7460]  }
0xca: {  	[tilespmem:s23+$0x8400] =	vst.add.f32.msk $0xffff, v2  }
0xcb: {  	[tilespmem:s23+$0x8410] =	vst.add.f32.msk $0xffff, v3  }
0xcc: {  	[tilespmem:s23+$0x8420] =	vst.add.f32.msk $0xffff, v4  }
0xcd: {  	[tilespmem:s23+$0x8430] =	vst.add.f32.msk $0xffff, v5  }
0xce: {  	[tilespmem:s23+$0x8440] =	vst.add.f32.msk $0xffff, v6  }
0xcf: {  	s24 =	simm.s32 $0x0;
	s25 =	simm.s32 $0x200;
	[tilespmem:s23+$0x8450] =	vst.add.f32.msk $0xffff, v7  }
.LBB2_11:
0xd0: {  	s24 =	sadd.s32 $0x8, s24;
	[tilespmem:s23+$0x8460] =	vst.add.f32.msk $0xffff, v1;
	s23 =	sshra.s32 s25, $0x2  }
0xd1: {  	v1 =	vld [tilespmem:s23+$0x7470];
	p1 =	slt.u32 s24, $0x78  }
0xd2: {  	v2 =	vld [tilespmem:s23+$0x7400]  }
0xd3: {  	v3 =	vld [tilespmem:s23+$0x7410]  }
0xd4: {  	v4 =	vld [tilespmem:s23+$0x7420]  }
0xd5: {  	v5 =	vld [tilespmem:s23+$0x7430]  }
0xd6: {  	[tilespmem:s23+$0x8470] =	vst.add.f32.msk $0xffff, v1  }
0xd7: {  	v6 =	vld [tilespmem:s23+$0x7440]  }
0xd8: {  	v7 =	vld [tilespmem:s23+$0x7450]  }
0xd9: {  	v1 =	vld [tilespmem:s23+$0x7460]  }
0xda: {  	[tilespmem:s23+$0x8400] =	vst.add.f32.msk $0xffff, v2  }
.Ltmp4:
0xdb: {  	[tilespmem:s23+$0x8410] =	vst.add.f32.msk $0xffff, v3;
	(pc) =	sbr.rel @p1 .LBB2_11-.Ltmp4, $4  }
0xdc: {  	[tilespmem:s23+$0x8420] =	vst.add.f32.msk $0xffff, v4  }
0xdd: {  	[tilespmem:s23+$0x8430] =	vst.add.f32.msk $0xffff, v5  }
0xde: {  	[tilespmem:s23+$0x8440] =	vst.add.f32.msk $0xffff, v6  }
0xdf: {  	s25 =	sadd.s32 $0x200, s25;
	[tilespmem:s23+$0x8450] =	vst.add.f32.msk $0xffff, v7  }
0xe0: {  	[tilespmem:s23+$0x8460] =	vst.add.f32.msk $0xffff, v1  }
0xe1: {  	_ =	swait.ge [sflag:s18], $0x800  }
0xe2: {  	s22 =	sadd.s32 @!p0 $0x300, s22;
	[sflag:s18] =	ssyncset.done $0x0  }
0xe3: {  	s23 =	simm.s32 @!p0 $0x80;
	s24 =	simm.s32 @!p0 $0x7400;
	[sflag:s18] =	ssyncadd.s32 $0xFFFFF800  }
0xe4: {  	[tilespmem:s24], [sflag:$0x3] =	stream.indirect.gather @!p0 [hbm4b:s3+s23], $0x10, s22, s23, $0xb8;
	[tilespmem:$0x8C00] =	vst v63  }
0xe5: {  	s22 =	simm.s32 $0x0  }
0xe6: {  	v1 =	vld [tilespmem:s22+$0x7C70]  }
0xe7: {  	v2 =	vld [tilespmem:s22+$0x7C00]  }
0xe8: {  	v3 =	vld [tilespmem:s22+$0x7C10]  }
0xe9: {  	v4 =	vld [tilespmem:s22+$0x7C20]  }
0xea: {  	v5 =	vld [tilespmem:s22+$0x7C30]  }
0xeb: {  	v6 =	vld [tilespmem:s22+$0x7C40]  }
0xec: {  	v7 =	vld [tilespmem:s22+$0x7C50]  }
0xed: {  	[tilespmem:s22+$0x8470] =	vst.add.f32.msk $0xffff, v1  }
0xee: {  	v1 =	vld [tilespmem:s22+$0x7C60]  }
0xef: {  	[tilespmem:s22+$0x8400] =	vst.add.f32.msk $0xffff, v2  }
0xf0: {  	[tilespmem:s22+$0x8410] =	vst.add.f32.msk $0xffff, v3  }
0xf1: {  	[tilespmem:s22+$0x8420] =	vst.add.f32.msk $0xffff, v4  }
0xf2: {  	[tilespmem:s22+$0x8430] =	vst.add.f32.msk $0xffff, v5  }
0xf3: {  	[tilespmem:s22+$0x8440] =	vst.add.f32.msk $0xffff, v6  }
0xf4: {  	s23 =	simm.s32 $0x0;
	s24 =	simm.s32 $0x200;
	[tilespmem:s22+$0x8450] =	vst.add.f32.msk $0xffff, v7  }
.LBB2_13:
0xf5: {  	s23 =	sadd.s32 $0x8, s23;
	[tilespmem:s22+$0x8460] =	vst.add.f32.msk $0xffff, v1;
	s22 =	sshra.s32 s24, $0x2  }
0xf6: {  	v1 =	vld [tilespmem:s22+$0x7C70];
	p0 =	slt.u32 s23, $0x78  }
0xf7: {  	v2 =	vld [tilespmem:s22+$0x7C00]  }
0xf8: {  	v3 =	vld [tilespmem:s22+$0x7C10]  }
0xf9: {  	v4 =	vld [tilespmem:s22+$0x7C20]  }
0xfa: {  	v5 =	vld [tilespmem:s22+$0x7C30]  }
0xfb: {  	[tilespmem:s22+$0x8470] =	vst.add.f32.msk $0xffff, v1  }
0xfc: {  	v6 =	vld [tilespmem:s22+$0x7C40]  }
0xfd: {  	v7 =	vld [tilespmem:s22+$0x7C50]  }
0xfe: {  	v1 =	vld [tilespmem:s22+$0x7C60]  }
0xff: {  	[tilespmem:s22+$0x8400] =	vst.add.f32.msk $0xffff, v2  }
.Ltmp5:
0x100: {  	[tilespmem:s22+$0x8410] =	vst.add.f32.msk $0xffff, v3;
	(pc) =	sbr.rel @p0 .LBB2_13-.Ltmp5, $4  }
0x101: {  	[tilespmem:s22+$0x8420] =	vst.add.f32.msk $0xffff, v4  }
0x102: {  	[tilespmem:s22+$0x8430] =	vst.add.f32.msk $0xffff, v5  }
0x103: {  	[tilespmem:s22+$0x8440] =	vst.add.f32.msk $0xffff, v6  }
0x104: {  	s24 =	sadd.s32 $0x200, s24;
	[tilespmem:s22+$0x8450] =	vst.add.f32.msk $0xffff, v7  }
0x105: {  	s21 =	sadd.s32 $0x1, s21  }
0x106: {  	p0 =	sne.s32 s21, $0x32  }
.Ltmp6:
0x107: {  	_ = 	snop;
	(pc) =	sbr.rel @p0 .LBB2_6-.Ltmp6, $2  }
0x108: {  	_ =	sdelay $0x2  }
0x109: {  	[tilespmem:s22+$0x8460] =	vst.add.f32.msk $0xffff, v1  }
0x10a: {  	s20 =	sadd.s32 $0x1, s20  }
0x10b: {  	p0 =	sne.s32 s20, s6  }
.Ltmp7:
0x10c: {  	_ = 	snop;
	(pc) =	sbr.rel @p0 .LBB2_1-.Ltmp7, $4  }
0x10d: {  	[hbm4b:s5+s2] =	stream.linear.scatter [tilespmem:s19], [sflag:$0x5], $0x800, $0x38;
	[tilespmem:$0x8C00] =	vst v63  }
0x10e: {  	_ =	swait.ge [sflag:s8], $0x800  }
0x10f: {  	[sflag:s8] =	ssyncset.done $0x0  }
0x110: {  	[sflag:s8] =	ssyncadd.s32 $0xFFFFF800  }
0x111: {  	_ =	sfence.sel $0x180000  }
0x112: {  	[bflag:$0x0] =	sbarrier.arrive $0xFFFF  }
0x113: {  	p0 =	sne.s32 s0, $0x0;
	_ =	strace $0x90000047  }
0x114: {  	s0 =	sadd.s32 @!p0 $0x100000, s1;
	[bflag:$0x2] =	sbarrier.arrive $0xFFFF  }
0x115: {  	[sflag:s0] =	ssyncadd.tile.s32 @!p0 $0x1;
	_ =	shalt  }
.Lfunc_end2:
_tile_overlayer_lowered:
.L_overlay_start_2:
0x116: {  	(tag) =	ssettag $0x2  }
0x117: {  	s0 =	rddreg [dreg:$0x0];
	s2 =	stileid.u32  }
0x118: {  	s1 =	rddreg [dreg:$0x1];
	p0 =	sne.s32 s2, $0x0  }
0x119: {  	s3 =	rddreg [dreg:$0x2];
	[bflag:$0x3] =	sbarrier.arrive $0xFFFF;
	s2 =	simm.s32 @!p0 $0x1C05  }
0x11a: {  	[timem:s3], [sflag:s2] =	dma.local @!p0 [hbm:s0], s1  }
0x11b: {  	s0 =	simm.s32 @!p0 $0x5  }
0x11c: {  	_ =	swait.ge @!p0 [sflag:s0], s1  }
0x11d: {  	s1 =	ssub.s32 @!p0 $0x0, s1;
	[sflag:s0] =	ssyncset.done @!p0 $0x0  }
0x11e: {  	[sflag:s0] =	ssyncadd.s32 @!p0 s1  }
0x11f: {  	[bflag:$0x3] =	sbarrier.arrive $0xFFFF  }
0x120: {  	_ =	shalt  }

</sc_bundles>
